<compile_context>
chip_gen: v7x
topology: tpu7x:2x2x1
jax: 0.10.2.dev20260603
libtpu: 0.0.44.dev20260713+nightly
codegen_flags: <defaults>
</compile_context>

<pallas_src>
import jax
import jax.numpy as jnp
from jax import lax
from jax.experimental import pallas as pl
from jax.experimental.pallas import tpu as pltpu
from jax.experimental.pallas import tpu_sc as plsc

EMBED_DIM = 64
SEQ_LENGTH = 200
BATCH = 4096

NUM_CORES = 2
NUM_SUBCORES = 16
NUM_WORKERS = NUM_CORES * NUM_SUBCORES
SEQ_PER_WORKER = BATCH // NUM_WORKERS
HALF = SEQ_LENGTH // 2
WIDE = 2 * EMBED_DIM
NBUF = 4
GROUPS = SEQ_PER_WORKER // NBUF


def _body(idx_hbm, word_hbm, pos_hbm, out_hbm, idx_all, pos_sh, rows_v,
          *sems):
    sem_p = sems[0:NBUF]
    sem_g = sems[NBUF:2 * NBUF]
    sem_o = sems[2 * NBUF:3 * NBUF]
    c = lax.axis_index("c")
    s = lax.axis_index("s")
    wid = s * NUM_CORES + c
    base = wid * SEQ_PER_WORKER

    pltpu.sync_copy(idx_hbm.at[wid], idx_all)

    @pl.when(s == 0)
    def _():
        pltpu.sync_copy(pos_hbm, pos_sh)

    plsc.subcore_barrier()

    def group_body(g, carry):
        for b in range(NBUF):
            @pl.when(g > 0)
            def _(b=b):
                for h in range(2):
                    pltpu.make_async_copy(
                        rows_v.at[b, h],
                        out_hbm.at[pl.ds(0, HALF),
                                   pl.ds(h * EMBED_DIM, EMBED_DIM)],
                        sem_o[b]).wait()
            pltpu.async_copy(pos_sh, rows_v.at[b], sem_p[b])
        for b in range(NBUF):
            i = g * NBUF + b
            pltpu.make_async_copy(pos_sh, rows_v.at[b], sem_p[b]).wait()
            for h in range(2):
                pltpu.async_copy(
                    word_hbm.at[idx_all.at[i, h]],
                    rows_v.at[b, h], sem_g[b], add=True)
        for b in range(NBUF):
            i = g * NBUF + b
            for h in range(2):
                pltpu.make_async_copy(
                    word_hbm.at[idx_all.at[i, h]],
                    rows_v.at[b, h], sem_g[b]).wait()
            for h in range(2):
                pltpu.async_copy(
                    rows_v.at[b, h],
                    out_hbm.at[pl.ds((base + i) * HALF, HALF),
                               pl.ds(h * EMBED_DIM, EMBED_DIM)],
                    sem_o[b])
        return carry

    lax.fori_loop(0, GROUPS, group_body, 0)
    for b in range(NBUF):
        for h in range(2):
            pltpu.make_async_copy(
                rows_v.at[b, h],
                out_hbm.at[pl.ds(0, HALF),
                           pl.ds(h * EMBED_DIM, EMBED_DIM)],
                sem_o[b]).wait()


@jax.jit
def kernel(inputs, word_table, pos_table):
    idx = (inputs.astype(jnp.int32)
           .reshape(BATCH, HALF, 2)
           .transpose(0, 2, 1)
           .reshape(NUM_WORKERS, SEQ_PER_WORKER, 2, HALF))
    pos_eo = pos_table.reshape(HALF, 2, EMBED_DIM).transpose(1, 0, 2)
    mesh = plsc.VectorSubcoreMesh(
        core_axis_name="c", subcore_axis_name="s")
    run = pl.kernel(
        _body,
        out_type=jax.ShapeDtypeStruct(
            (BATCH * SEQ_LENGTH * EMBED_DIM // WIDE, WIDE), jnp.float32),
        mesh=mesh,
        scratch_types=[
            pltpu.VMEM((SEQ_PER_WORKER, 2, HALF), jnp.int32),
            pltpu.VMEM_SHARED((2, HALF, EMBED_DIM), jnp.float32),
            pltpu.VMEM((NBUF, 2, HALF, EMBED_DIM), jnp.float32),
        ] + [pltpu.SemaphoreType.DMA] * (3 * NBUF),
        compiler_params=pltpu.CompilerParams(use_tc_tiling_on_sc=False),
    )
    out128 = lax.optimization_barrier(run(idx, word_table, pos_eo))
    return out128.reshape(BATCH, SEQ_LENGTH, EMBED_DIM)

# --- scband reference (transcript-rebuilt; emitter-appended) ---
"""Pipeline reference for scband-positional-embedding-6270652253021 (READ-ONLY COPY).

The authoritative reference and input builder live on the scoring server;
editing this copy changes nothing except your own understanding.
"""

import jax, jax.numpy as jnp
import numpy as np

MAX_WORD = 100000
EMBED_DIM = 64
SEQ_LENGTH = 200
BATCH = 4096

def setup_inputs(seed: int = 0) -> dict:
    key = jax.random.key(seed)
    k_idx, k_word, k_pos = jax.random.split(key, 3)
    inputs = jax.random.randint(k_idx, (BATCH, SEQ_LENGTH), 0, MAX_WORD, dtype=jnp.int64 if jax.config.jax_enable_x64 else jnp.int32)
    word_table = jax.random.normal(k_word, (MAX_WORD, EMBED_DIM), dtype=jnp.float32) * 0.05
    pos_table = jax.random.normal(k_pos, (SEQ_LENGTH, EMBED_DIM), dtype=jnp.float32) * 0.05
    return {"inputs": inputs, "word_table": word_table, "pos_table": pos_table}

def reference(inputs, word_table, pos_table):
    # length = inputs.shape[-1]; positions 0..length-1
    length = inputs.shape[-1]
    position = jnp.arange(0, length)
    embedded_tokens = jnp.take(word_table, inputs, axis=0)          # [B, L, D]
    embedded_pos = jnp.take(pos_table, position, axis=0)             # [L, D]
    return embedded_tokens + embedded_pos[None, :, :]

if __name__ == "__main__":
    import jax
    _d = setup_inputs()
    print(jax.jit(kernel)(*tuple(_d.values())))

</pallas_src>

<mosaic_0001>
#map = affine_map<(d0, d1) -> (0, 0, 0, 0)>
#map1 = affine_map<(d0, d1) -> (0, 0)>
#map2 = affine_map<(d0, d1) -> (0, 0, 0)>
module attributes {stable_mosaic.version = 14 : i64} {
  func.func @_body(%arg0: i32, %arg1: i32, %arg2: memref<32x128x2x100xi32, #tpu.memory_space<hbm>>, %arg3: memref<100000x64xf32, #tpu.memory_space<hbm>>, %arg4: memref<2x100x64xf32, #tpu.memory_space<hbm>>, %arg5: memref<409600x128xf32, #tpu.memory_space<hbm>>, %arg6: memref<128x2x100xi32, #tpu.memory_space<vmem>>, %arg7: memref<2x100x64xf32, #tpu.memory_space<vmem_shared>>, %arg8: memref<4x2x100x64xf32, #tpu.memory_space<vmem>>, %arg9: memref<!tpu.dma_semaphore, #tpu.memory_space<semaphore_mem>>, %arg10: memref<!tpu.dma_semaphore, #tpu.memory_space<semaphore_mem>>, %arg11: memref<!tpu.dma_semaphore, #tpu.memory_space<semaphore_mem>>, %arg12: memref<!tpu.dma_semaphore, #tpu.memory_space<semaphore_mem>>, %arg13: memref<!tpu.dma_semaphore, #tpu.memory_space<semaphore_mem>>, %arg14: memref<!tpu.dma_semaphore, #tpu.memory_space<semaphore_mem>>, %arg15: memref<!tpu.dma_semaphore, #tpu.memory_space<semaphore_mem>>, %arg16: memref<!tpu.dma_semaphore, #tpu.memory_space<semaphore_mem>>, %arg17: memref<!tpu.dma_semaphore, #tpu.memory_space<semaphore_mem>>, %arg18: memref<!tpu.dma_semaphore, #tpu.memory_space<semaphore_mem>>, %arg19: memref<!tpu.dma_semaphore, #tpu.memory_space<semaphore_mem>>, %arg20: memref<!tpu.dma_semaphore, #tpu.memory_space<semaphore_mem>>) attributes {dimension_semantics = [#tpu.dimension_semantics<core_parallel>, #tpu.dimension_semantics<subcore_parallel>], iteration_bounds = array<i64: 2, 16>, scalar_prefetch = 0 : i64, scratch_operands = 15 : i64, tpu.core_type = #tpu.core_type<sc_vector_subcore>, window_params = [{transform_indices = #map}, {transform_indices = #map1}, {transform_indices = #map2}, {transform_indices = #map1}]} {
    %mul3A = arith.constant 2 : i32
    %mul3A_0 = arith.muli %arg1, %mul3A : i32
    %add3A = arith.addi %mul3A_0, %arg0 : i32
    %mul3A_1 = arith.constant 128 : i32
    %mul3A_2 = arith.muli %add3A, %mul3A_1 : i32
    "tpu.region"() ({
      %run_scoped3A = tpu.sem_alloc : memref<!tpu.dma_semaphore, #tpu.memory_space<semaphore_mem>>
      %dma_start3A = arith.constant 0 : i32
      %dma_start3A_137 = arith.constant 0 : i32
      %dma_start3A_138 = arith.constant 0 : i32
      %dma_start3A_139 = tpu.memref_slice %arg2[%add3A, %dma_start3A, %dma_start3A_137, %dma_start3A_138] : memref<32x128x2x100xi32, #tpu.memory_space<hbm>> -> memref<1x128x2x100xi32, #tpu.memory_space<hbm>>
      %dma_start3A_140 = tpu.memref_squeeze %dma_start3A_139 : memref<1x128x2x100xi32, #tpu.memory_space<hbm>> -> memref<128x2x100xi32, #tpu.memory_space<hbm>>
      %dma_start3A_141 = arith.constant 0 : i32
      %dma_start3A_142 = arith.constant 0 : i32
      %dma_start3A_143 = arith.constant 0 : i32
      %dma_start3A_144 = tpu.memref_slice %arg2[%add3A, %dma_start3A_141, %dma_start3A_142, %dma_start3A_143] : memref<32x128x2x100xi32, #tpu.memory_space<hbm>> -> memref<1x128x2x100xi32, #tpu.memory_space<hbm>>
      %dma_start3A_145 = tpu.memref_squeeze %dma_start3A_144 : memref<1x128x2x100xi32, #tpu.memory_space<hbm>> -> memref<128x2x100xi32, #tpu.memory_space<hbm>>
      tpu.enqueue_dma source(%dma_start3A_145 : memref<128x2x100xi32, #tpu.memory_space<hbm>>) target(%arg6 : memref<128x2x100xi32, #tpu.memory_space<vmem>>) target_semaphore(%run_scoped3A : memref<!tpu.dma_semaphore, #tpu.memory_space<semaphore_mem>>)
      %dma_wait3A_146 = arith.constant 0 : i32
      %dma_wait3A_147 = arith.constant 0 : i32
      %dma_wait3A_148 = arith.constant 0 : i32
      %dma_wait3A_149 = tpu.memref_slice %arg2[%add3A, %dma_wait3A_146, %dma_wait3A_147, %dma_wait3A_148] : memref<32x128x2x100xi32, #tpu.memory_space<hbm>> -> memref<1x128x2x100xi32, #tpu.memory_space<hbm>>
      %dma_wait3A_150 = tpu.memref_squeeze %dma_wait3A_149 : memref<1x128x2x100xi32, #tpu.memory_space<hbm>> -> memref<128x2x100xi32, #tpu.memory_space<hbm>>
      %dma_wait3A_151 = arith.constant 0 : i32
      %dma_wait3A_152 = arith.constant 0 : i32
      %dma_wait3A_153 = arith.constant 0 : i32
      %dma_wait3A_154 = tpu.memref_slice %arg2[%add3A, %dma_wait3A_151, %dma_wait3A_152, %dma_wait3A_153] : memref<32x128x2x100xi32, #tpu.memory_space<hbm>> -> memref<1x128x2x100xi32, #tpu.memory_space<hbm>>
      %dma_wait3A_155 = tpu.memref_squeeze %dma_wait3A_154 : memref<1x128x2x100xi32, #tpu.memory_space<hbm>> -> memref<128x2x100xi32, #tpu.memory_space<hbm>>
      tpu.wait_dma2 semaphore(%run_scoped3A : memref<!tpu.dma_semaphore, #tpu.memory_space<semaphore_mem>>) src(%dma_wait3A_155 : memref<128x2x100xi32, #tpu.memory_space<hbm>>) dst(%arg6 : memref<128x2x100xi32, #tpu.memory_space<vmem>>)
      tpu.yield
    }) : () -> ()
    %eq3A = arith.constant 0 : i32
    %eq3A_3 = arith.cmpi eq, %arg1, %eq3A : i32
    %convert_element_type3A = arith.extui %eq3A_3 : i1 to i32
    %cond3A = arith.constant 0 : i32
    %cond3A_4 = arith.cmpi ne, %convert_element_type3A, %cond3A : i32
    scf.if %cond3A_4 {
      "tpu.region"() ({
        %run_scoped3A = tpu.sem_alloc : memref<!tpu.dma_semaphore, #tpu.memory_space<semaphore_mem>>
        tpu.enqueue_dma source(%arg4 : memref<2x100x64xf32, #tpu.memory_space<hbm>>) target(%arg7 : memref<2x100x64xf32, #tpu.memory_space<vmem_shared>>) target_semaphore(%run_scoped3A : memref<!tpu.dma_semaphore, #tpu.memory_space<semaphore_mem>>)
        tpu.wait_dma2 semaphore(%run_scoped3A : memref<!tpu.dma_semaphore, #tpu.memory_space<semaphore_mem>>) src(%arg4 : memref<2x100x64xf32, #tpu.memory_space<hbm>>) dst(%arg7 : memref<2x100x64xf32, #tpu.memory_space<vmem_shared>>)
        tpu.yield
      }) : () -> ()
    } else {
    }
    %barrier3A = arith.constant 0 : index
    tpu.barrier barrier_id(%barrier3A)
    %scan3A = arith.constant 0 : i32
    %scan3A_5 = arith.constant 0 : i32
    %scan3A_6 = arith.constant 32 : i32
    %scan3A_7 = arith.addi %scan3A_5, %scan3A_6 : i32
    %scan3A_8 = arith.constant 1 : i32
    scf.for %scan3A_137 = %scan3A_5 to %scan3A_7 step %scan3A_8  : i32 {
      %gt3A = arith.constant 0 : i32
      %gt3A_138 = arith.cmpi sgt, %scan3A_137, %gt3A : i32
      %convert_element_type3A_139 = arith.extui %gt3A_138 : i1 to i32
      %cond3A_140 = arith.constant 0 : i32
      %cond3A_141 = arith.cmpi ne, %convert_element_type3A_139, %cond3A_140 : i32
      scf.if %cond3A_141 {
        %dma_wait3A_620 = arith.constant 0 : i32
        %dma_wait3A_621 = arith.constant 0 : i32
        %dma_wait3A_622 = arith.constant 0 : i32
        %dma_wait3A_623 = arith.constant 0 : i32
        %dma_wait3A_624 = tpu.memref_slice %arg8[%dma_wait3A_620, %dma_wait3A_621, %dma_wait3A_622, %dma_wait3A_623] : memref<4x2x100x64xf32, #tpu.memory_space<vmem>> -> memref<1x1x100x64xf32, #tpu.memory_space<vmem>>
        %dma_wait3A_625 = tpu.memref_squeeze %dma_wait3A_624 : memref<1x1x100x64xf32, #tpu.memory_space<vmem>> -> memref<100x64xf32, #tpu.memory_space<vmem>>
        %dma_wait3A_626 = arith.constant 0 : i32
        %dma_wait3A_627 = arith.constant 0 : i32
        %dma_wait3A_628 = tpu.memref_slice %arg5[%dma_wait3A_626, %dma_wait3A_627] : memref<409600x128xf32, #tpu.memory_space<hbm>> -> memref<100x64xf32, #tpu.memory_space<hbm>>
        %dma_wait3A_629 = arith.constant 0 : i32
        %dma_wait3A_630 = arith.constant 0 : i32
        %dma_wait3A_631 = tpu.memref_slice %arg5[%dma_wait3A_629, %dma_wait3A_630] : memref<409600x128xf32, #tpu.memory_space<hbm>> -> memref<100x64xf32, #tpu.memory_space<hbm>>
        %dma_wait3A_632 = arith.constant 0 : i32
        %dma_wait3A_633 = arith.constant 0 : i32
        %dma_wait3A_634 = tpu.memref_slice %arg8[%dma_wait3A_620, %dma_wait3A_621, %dma_wait3A_632, %dma_wait3A_633] : memref<4x2x100x64xf32, #tpu.memory_space<vmem>> -> memref<1x1x100x64xf32, #tpu.memory_space<vmem>>
        %dma_wait3A_635 = tpu.memref_squeeze %dma_wait3A_634 : memref<1x1x100x64xf32, #tpu.memory_space<vmem>> -> memref<100x64xf32, #tpu.memory_space<vmem>>
        tpu.wait_dma2 semaphore(%arg17 : memref<!tpu.dma_semaphore, #tpu.memory_space<semaphore_mem>>) src(%dma_wait3A_635 : memref<100x64xf32, #tpu.memory_space<vmem>>) dst(%dma_wait3A_631 : memref<100x64xf32, #tpu.memory_space<hbm>>)
        %dma_wait3A_636 = arith.constant 0 : i32
        %dma_wait3A_637 = arith.constant 1 : i32
        %dma_wait3A_638 = arith.constant 0 : i32
        %dma_wait3A_639 = arith.constant 0 : i32
        %dma_wait3A_640 = tpu.memref_slice %arg8[%dma_wait3A_636, %dma_wait3A_637, %dma_wait3A_638, %dma_wait3A_639] : memref<4x2x100x64xf32, #tpu.memory_space<vmem>> -> memref<1x1x100x64xf32, #tpu.memory_space<vmem>>
        %dma_wait3A_641 = tpu.memref_squeeze %dma_wait3A_640 : memref<1x1x100x64xf32, #tpu.memory_space<vmem>> -> memref<100x64xf32, #tpu.memory_space<vmem>>
        %dma_wait3A_642 = arith.constant 0 : i32
        %dma_wait3A_643 = arith.constant 64 : i32
        %dma_wait3A_644 = tpu.memref_slice %arg5[%dma_wait3A_642, %dma_wait3A_643] : memref<409600x128xf32, #tpu.memory_space<hbm>> -> memref<100x64xf32, #tpu.memory_space<hbm>>
        %dma_wait3A_645 = arith.constant 0 : i32
        %dma_wait3A_646 = arith.constant 64 : i32
        %dma_wait3A_647 = tpu.memref_slice %arg5[%dma_wait3A_645, %dma_wait3A_646] : memref<409600x128xf32, #tpu.memory_space<hbm>> -> memref<100x64xf32, #tpu.memory_space<hbm>>
        %dma_wait3A_648 = arith.constant 0 : i32
        %dma_wait3A_649 = arith.constant 0 : i32
        %dma_wait3A_650 = tpu.memref_slice %arg8[%dma_wait3A_636, %dma_wait3A_637, %dma_wait3A_648, %dma_wait3A_649] : memref<4x2x100x64xf32, #tpu.memory_space<vmem>> -> memref<1x1x100x64xf32, #tpu.memory_space<vmem>>
        %dma_wait3A_651 = tpu.memref_squeeze %dma_wait3A_650 : memref<1x1x100x64xf32, #tpu.memory_space<vmem>> -> memref<100x64xf32, #tpu.memory_space<vmem>>
        tpu.wait_dma2 semaphore(%arg17 : memref<!tpu.dma_semaphore, #tpu.memory_space<semaphore_mem>>) src(%dma_wait3A_651 : memref<100x64xf32, #tpu.memory_space<vmem>>) dst(%dma_wait3A_647 : memref<100x64xf32, #tpu.memory_space<hbm>>)
      } else {
      }
      %dma_start3A = arith.constant 0 : i32
      %dma_start3A_142 = arith.constant 0 : i32
      %dma_start3A_143 = arith.constant 0 : i32
      %dma_start3A_144 = arith.constant 0 : i32
      %dma_start3A_145 = tpu.memref_slice %arg8[%dma_start3A, %dma_start3A_142, %dma_start3A_143, %dma_start3A_144] : memref<4x2x100x64xf32, #tpu.memory_space<vmem>> -> memref<1x2x100x64xf32, #tpu.memory_space<vmem>>
      %dma_start3A_146 = tpu.memref_squeeze %dma_start3A_145 : memref<1x2x100x64xf32, #tpu.memory_space<vmem>> -> memref<2x100x64xf32, #tpu.memory_space<vmem>>
      %dma_start3A_147 = arith.constant 0 : i32
      %dma_start3A_148 = arith.constant 0 : i32
      %dma_start3A_149 = arith.constant 0 : i32
      %dma_start3A_150 = tpu.memref_slice %arg8[%dma_start3A, %dma_start3A_147, %dma_start3A_148, %dma_start3A_149] : memref<4x2x100x64xf32, #tpu.memory_space<vmem>> -> memref<1x2x100x64xf32, #tpu.memory_space<vmem>>
      %dma_start3A_151 = tpu.memref_squeeze %dma_start3A_150 : memref<1x2x100x64xf32, #tpu.memory_space<vmem>> -> memref<2x100x64xf32, #tpu.memory_space<vmem>>
      tpu.enqueue_dma source(%arg7 : memref<2x100x64xf32, #tpu.memory_space<vmem_shared>>) target(%dma_start3A_151 : memref<2x100x64xf32, #tpu.memory_space<vmem>>) target_semaphore(%arg9 : memref<!tpu.dma_semaphore, #tpu.memory_space<semaphore_mem>>)
      %gt3A_152 = arith.constant 0 : i32
      %gt3A_153 = arith.cmpi sgt, %scan3A_137, %gt3A_152 : i32
      %convert_element_type3A_154 = arith.extui %gt3A_153 : i1 to i32
      %cond3A_155 = arith.constant 0 : i32
      %cond3A_156 = arith.cmpi ne, %convert_element_type3A_154, %cond3A_155 : i32
      scf.if %cond3A_156 {
        %dma_wait3A_620 = arith.constant 1 : i32
        %dma_wait3A_621 = arith.constant 0 : i32
        %dma_wait3A_622 = arith.constant 0 : i32
        %dma_wait3A_623 = arith.constant 0 : i32
        %dma_wait3A_624 = tpu.memref_slice %arg8[%dma_wait3A_620, %dma_wait3A_621, %dma_wait3A_622, %dma_wait3A_623] : memref<4x2x100x64xf32, #tpu.memory_space<vmem>> -> memref<1x1x100x64xf32, #tpu.memory_space<vmem>>
        %dma_wait3A_625 = tpu.memref_squeeze %dma_wait3A_624 : memref<1x1x100x64xf32, #tpu.memory_space<vmem>> -> memref<100x64xf32, #tpu.memory_space<vmem>>
        %dma_wait3A_626 = arith.constant 0 : i32
        %dma_wait3A_627 = arith.constant 0 : i32
        %dma_wait3A_628 = tpu.memref_slice %arg5[%dma_wait3A_626, %dma_wait3A_627] : memref<409600x128xf32, #tpu.memory_space<hbm>> -> memref<100x64xf32, #tpu.memory_space<hbm>>
        %dma_wait3A_629 = arith.constant 0 : i32
        %dma_wait3A_630 = arith.constant 0 : i32
        %dma_wait3A_631 = tpu.memref_slice %arg5[%dma_wait3A_629, %dma_wait3A_630] : memref<409600x128xf32, #tpu.memory_space<hbm>> -> memref<100x64xf32, #tpu.memory_space<hbm>>
        %dma_wait3A_632 = arith.constant 0 : i32
        %dma_wait3A_633 = arith.constant 0 : i32
        %dma_wait3A_634 = tpu.memref_slice %arg8[%dma_wait3A_620, %dma_wait3A_621, %dma_wait3A_632, %dma_wait3A_633] : memref<4x2x100x64xf32, #tpu.memory_space<vmem>> -> memref<1x1x100x64xf32, #tpu.memory_space<vmem>>
        %dma_wait3A_635 = tpu.memref_squeeze %dma_wait3A_634 : memref<1x1x100x64xf32, #tpu.memory_space<vmem>> -> memref<100x64xf32, #tpu.memory_space<vmem>>
        tpu.wait_dma2 semaphore(%arg18 : memref<!tpu.dma_semaphore, #tpu.memory_space<semaphore_mem>>) src(%dma_wait3A_635 : memref<100x64xf32, #tpu.memory_space<vmem>>) dst(%dma_wait3A_631 : memref<100x64xf32, #tpu.memory_space<hbm>>)
        %dma_wait3A_636 = arith.constant 1 : i32
        %dma_wait3A_637 = arith.constant 1 : i32
        %dma_wait3A_638 = arith.constant 0 : i32
        %dma_wait3A_639 = arith.constant 0 : i32
        %dma_wait3A_640 = tpu.memref_slice %arg8[%dma_wait3A_636, %dma_wait3A_637, %dma_wait3A_638, %dma_wait3A_639] : memref<4x2x100x64xf32, #tpu.memory_space<vmem>> -> memref<1x1x100x64xf32, #tpu.memory_space<vmem>>
        %dma_wait3A_641 = tpu.memref_squeeze %dma_wait3A_640 : memref<1x1x100x64xf32, #tpu.memory_space<vmem>> -> memref<100x64xf32, #tpu.memory_space<vmem>>
        %dma_wait3A_642 = arith.constant 0 : i32
        %dma_wait3A_643 = arith.constant 64 : i32
        %dma_wait3A_644 = tpu.memref_slice %arg5[%dma_wait3A_642, %dma_wait3A_643] : memref<409600x128xf32, #tpu.memory_space<hbm>> -> memref<100x64xf32, #tpu.memory_space<hbm>>
        %dma_wait3A_645 = arith.constant 0 : i32
        %dma_wait3A_646 = arith.constant 64 : i32
        %dma_wait3A_647 = tpu.memref_slice %arg5[%dma_wait3A_645, %dma_wait3A_646] : memref<409600x128xf32, #tpu.memory_space<hbm>> -> memref<100x64xf32, #tpu.memory_space<hbm>>
        %dma_wait3A_648 = arith.constant 0 : i32
        %dma_wait3A_649 = arith.constant 0 : i32
        %dma_wait3A_650 = tpu.memref_slice %arg8[%dma_wait3A_636, %dma_wait3A_637, %dma_wait3A_648, %dma_wait3A_649] : memref<4x2x100x64xf32, #tpu.memory_space<vmem>> -> memref<1x1x100x64xf32, #tpu.memory_space<vmem>>
        %dma_wait3A_651 = tpu.memref_squeeze %dma_wait3A_650 : memref<1x1x100x64xf32, #tpu.memory_space<vmem>> -> memref<100x64xf32, #tpu.memory_space<vmem>>
        tpu.wait_dma2 semaphore(%arg18 : memref<!tpu.dma_semaphore, #tpu.memory_space<semaphore_mem>>) src(%dma_wait3A_651 : memref<100x64xf32, #tpu.memory_space<vmem>>) dst(%dma_wait3A_647 : memref<100x64xf32, #tpu.memory_space<hbm>>)
      } else {
      }
      %dma_start3A_157 = arith.constant 1 : i32
      %dma_start3A_158 = arith.constant 0 : i32
      %dma_start3A_159 = arith.constant 0 : i32
      %dma_start3A_160 = arith.constant 0 : i32
      %dma_start3A_161 = tpu.memref_slice %arg8[%dma_start3A_157, %dma_start3A_158, %dma_start3A_159, %dma_start3A_160] : memref<4x2x100x64xf32, #tpu.memory_space<vmem>> -> memref<1x2x100x64xf32, #tpu.memory_space<vmem>>
      %dma_start3A_162 = tpu.memref_squeeze %dma_start3A_161 : memref<1x2x100x64xf32, #tpu.memory_space<vmem>> -> memref<2x100x64xf32, #tpu.memory_space<vmem>>
      %dma_start3A_163 = arith.constant 0 : i32
      %dma_start3A_164 = arith.constant 0 : i32
      %dma_start3A_165 = arith.constant 0 : i32
      %dma_start3A_166 = tpu.memref_slice %arg8[%dma_start3A_157, %dma_start3A_163, %dma_start3A_164, %dma_start3A_165] : memref<4x2x100x64xf32, #tpu.memory_space<vmem>> -> memref<1x2x100x64xf32, #tpu.memory_space<vmem>>
      %dma_start3A_167 = tpu.memref_squeeze %dma_start3A_166 : memref<1x2x100x64xf32, #tpu.memory_space<vmem>> -> memref<2x100x64xf32, #tpu.memory_space<vmem>>
      tpu.enqueue_dma source(%arg7 : memref<2x100x64xf32, #tpu.memory_space<vmem_shared>>) target(%dma_start3A_167 : memref<2x100x64xf32, #tpu.memory_space<vmem>>) target_semaphore(%arg10 : memref<!tpu.dma_semaphore, #tpu.memory_space<semaphore_mem>>)
      %gt3A_168 = arith.constant 0 : i32
      %gt3A_169 = arith.cmpi sgt, %scan3A_137, %gt3A_168 : i32
      %convert_element_type3A_170 = arith.extui %gt3A_169 : i1 to i32
      %cond3A_171 = arith.constant 0 : i32
      %cond3A_172 = arith.cmpi ne, %convert_element_type3A_170, %cond3A_171 : i32
      scf.if %cond3A_172 {
        %dma_wait3A_620 = arith.constant 2 : i32
        %dma_wait3A_621 = arith.constant 0 : i32
        %dma_wait3A_622 = arith.constant 0 : i32
        %dma_wait3A_623 = arith.constant 0 : i32
        %dma_wait3A_624 = tpu.memref_slice %arg8[%dma_wait3A_620, %dma_wait3A_621, %dma_wait3A_622, %dma_wait3A_623] : memref<4x2x100x64xf32, #tpu.memory_space<vmem>> -> memref<1x1x100x64xf32, #tpu.memory_space<vmem>>
        %dma_wait3A_625 = tpu.memref_squeeze %dma_wait3A_624 : memref<1x1x100x64xf32, #tpu.memory_space<vmem>> -> memref<100x64xf32, #tpu.memory_space<vmem>>
        %dma_wait3A_626 = arith.constant 0 : i32
        %dma_wait3A_627 = arith.constant 0 : i32
        %dma_wait3A_628 = tpu.memref_slice %arg5[%dma_wait3A_626, %dma_wait3A_627] : memref<409600x128xf32, #tpu.memory_space<hbm>> -> memref<100x64xf32, #tpu.memory_space<hbm>>
        %dma_wait3A_629 = arith.constant 0 : i32
        %dma_wait3A_630 = arith.constant 0 : i32
        %dma_wait3A_631 = tpu.memref_slice %arg5[%dma_wait3A_629, %dma_wait3A_630] : memref<409600x128xf32, #tpu.memory_space<hbm>> -> memref<100x64xf32, #tpu.memory_space<hbm>>
        %dma_wait3A_632 = arith.constant 0 : i32
        %dma_wait3A_633 = arith.constant 0 : i32
        %dma_wait3A_634 = tpu.memref_slice %arg8[%dma_wait3A_620, %dma_wait3A_621, %dma_wait3A_632, %dma_wait3A_633] : memref<4x2x100x64xf32, #tpu.memory_space<vmem>> -> memref<1x1x100x64xf32, #tpu.memory_space<vmem>>
        %dma_wait3A_635 = tpu.memref_squeeze %dma_wait3A_634 : memref<1x1x100x64xf32, #tpu.memory_space<vmem>> -> memref<100x64xf32, #tpu.memory_space<vmem>>
        tpu.wait_dma2 semaphore(%arg19 : memref<!tpu.dma_semaphore, #tpu.memory_space<semaphore_mem>>) src(%dma_wait3A_635 : memref<100x64xf32, #tpu.memory_space<vmem>>) dst(%dma_wait3A_631 : memref<100x64xf32, #tpu.memory_space<hbm>>)
        %dma_wait3A_636 = arith.constant 2 : i32
        %dma_wait3A_637 = arith.constant 1 : i32
        %dma_wait3A_638 = arith.constant 0 : i32
        %dma_wait3A_639 = arith.constant 0 : i32
        %dma_wait3A_640 = tpu.memref_slice %arg8[%dma_wait3A_636, %dma_wait3A_637, %dma_wait3A_638, %dma_wait3A_639] : memref<4x2x100x64xf32, #tpu.memory_space<vmem>> -> memref<1x1x100x64xf32, #tpu.memory_space<vmem>>
        %dma_wait3A_641 = tpu.memref_squeeze %dma_wait3A_640 : memref<1x1x100x64xf32, #tpu.memory_space<vmem>> -> memref<100x64xf32, #tpu.memory_space<vmem>>
        %dma_wait3A_642 = arith.constant 0 : i32
        %dma_wait3A_643 = arith.constant 64 : i32
        %dma_wait3A_644 = tpu.memref_slice %arg5[%dma_wait3A_642, %dma_wait3A_643] : memref<409600x128xf32, #tpu.memory_space<hbm>> -> memref<100x64xf32, #tpu.memory_space<hbm>>
        %dma_wait3A_645 = arith.constant 0 : i32
        %dma_wait3A_646 = arith.constant 64 : i32
        %dma_wait3A_647 = tpu.memref_slice %arg5[%dma_wait3A_645, %dma_wait3A_646] : memref<409600x128xf32, #tpu.memory_space<hbm>> -> memref<100x64xf32, #tpu.memory_space<hbm>>
        %dma_wait3A_648 = arith.constant 0 : i32
        %dma_wait3A_649 = arith.constant 0 : i32
        %dma_wait3A_650 = tpu.memref_slice %arg8[%dma_wait3A_636, %dma_wait3A_637, %dma_wait3A_648, %dma_wait3A_649] : memref<4x2x100x64xf32, #tpu.memory_space<vmem>> -> memref<1x1x100x64xf32, #tpu.memory_space<vmem>>
        %dma_wait3A_651 = tpu.memref_squeeze %dma_wait3A_650 : memref<1x1x100x64xf32, #tpu.memory_space<vmem>> -> memref<100x64xf32, #tpu.memory_space<vmem>>
        tpu.wait_dma2 semaphore(%arg19 : memref<!tpu.dma_semaphore, #tpu.memory_space<semaphore_mem>>) src(%dma_wait3A_651 : memref<100x64xf32, #tpu.memory_space<vmem>>) dst(%dma_wait3A_647 : memref<100x64xf32, #tpu.memory_space<hbm>>)
      } else {
      }
      %dma_start3A_173 = arith.constant 2 : i32
      %dma_start3A_174 = arith.constant 0 : i32
      %dma_start3A_175 = arith.constant 0 : i32
      %dma_start3A_176 = arith.constant 0 : i32
      %dma_start3A_177 = tpu.memref_slice %arg8[%dma_start3A_173, %dma_start3A_174, %dma_start3A_175, %dma_start3A_176] : memref<4x2x100x64xf32, #tpu.memory_space<vmem>> -> memref<1x2x100x64xf32, #tpu.memory_space<vmem>>
      %dma_start3A_178 = tpu.memref_squeeze %dma_start3A_177 : memref<1x2x100x64xf32, #tpu.memory_space<vmem>> -> memref<2x100x64xf32, #tpu.memory_space<vmem>>
      %dma_start3A_179 = arith.constant 0 : i32
      %dma_start3A_180 = arith.constant 0 : i32
      %dma_start3A_181 = arith.constant 0 : i32
      %dma_start3A_182 = tpu.memref_slice %arg8[%dma_start3A_173, %dma_start3A_179, %dma_start3A_180, %dma_start3A_181] : memref<4x2x100x64xf32, #tpu.memory_space<vmem>> -> memref<1x2x100x64xf32, #tpu.memory_space<vmem>>
      %dma_start3A_183 = tpu.memref_squeeze %dma_start3A_182 : memref<1x2x100x64xf32, #tpu.memory_space<vmem>> -> memref<2x100x64xf32, #tpu.memory_space<vmem>>
      tpu.enqueue_dma source(%arg7 : memref<2x100x64xf32, #tpu.memory_space<vmem_shared>>) target(%dma_start3A_183 : memref<2x100x64xf32, #tpu.memory_space<vmem>>) target_semaphore(%arg11 : memref<!tpu.dma_semaphore, #tpu.memory_space<semaphore_mem>>)
      %gt3A_184 = arith.constant 0 : i32
      %gt3A_185 = arith.cmpi sgt, %scan3A_137, %gt3A_184 : i32
      %convert_element_type3A_186 = arith.extui %gt3A_185 : i1 to i32
      %cond3A_187 = arith.constant 0 : i32
      %cond3A_188 = arith.cmpi ne, %convert_element_type3A_186, %cond3A_187 : i32
      scf.if %cond3A_188 {
        %dma_wait3A_620 = arith.constant 3 : i32
        %dma_wait3A_621 = arith.constant 0 : i32
        %dma_wait3A_622 = arith.constant 0 : i32
        %dma_wait3A_623 = arith.constant 0 : i32
        %dma_wait3A_624 = tpu.memref_slice %arg8[%dma_wait3A_620, %dma_wait3A_621, %dma_wait3A_622, %dma_wait3A_623] : memref<4x2x100x64xf32, #tpu.memory_space<vmem>> -> memref<1x1x100x64xf32, #tpu.memory_space<vmem>>
        %dma_wait3A_625 = tpu.memref_squeeze %dma_wait3A_624 : memref<1x1x100x64xf32, #tpu.memory_space<vmem>> -> memref<100x64xf32, #tpu.memory_space<vmem>>
        %dma_wait3A_626 = arith.constant 0 : i32
        %dma_wait3A_627 = arith.constant 0 : i32
        %dma_wait3A_628 = tpu.memref_slice %arg5[%dma_wait3A_626, %dma_wait3A_627] : memref<409600x128xf32, #tpu.memory_space<hbm>> -> memref<100x64xf32, #tpu.memory_space<hbm>>
        %dma_wait3A_629 = arith.constant 0 : i32
        %dma_wait3A_630 = arith.constant 0 : i32
        %dma_wait3A_631 = tpu.memref_slice %arg5[%dma_wait3A_629, %dma_wait3A_630] : memref<409600x128xf32, #tpu.memory_space<hbm>> -> memref<100x64xf32, #tpu.memory_space<hbm>>
        %dma_wait3A_632 = arith.constant 0 : i32
        %dma_wait3A_633 = arith.constant 0 : i32
        %dma_wait3A_634 = tpu.memref_slice %arg8[%dma_wait3A_620, %dma_wait3A_621, %dma_wait3A_632, %dma_wait3A_633] : memref<4x2x100x64xf32, #tpu.memory_space<vmem>> -> memref<1x1x100x64xf32, #tpu.memory_space<vmem>>
        %dma_wait3A_635 = tpu.memref_squeeze %dma_wait3A_634 : memref<1x1x100x64xf32, #tpu.memory_space<vmem>> -> memref<100x64xf32, #tpu.memory_space<vmem>>
        tpu.wait_dma2 semaphore(%arg20 : memref<!tpu.dma_semaphore, #tpu.memory_space<semaphore_mem>>) src(%dma_wait3A_635 : memref<100x64xf32, #tpu.memory_space<vmem>>) dst(%dma_wait3A_631 : memref<100x64xf32, #tpu.memory_space<hbm>>)
        %dma_wait3A_636 = arith.constant 3 : i32
        %dma_wait3A_637 = arith.constant 1 : i32
        %dma_wait3A_638 = arith.constant 0 : i32
        %dma_wait3A_639 = arith.constant 0 : i32
        %dma_wait3A_640 = tpu.memref_slice %arg8[%dma_wait3A_636, %dma_wait3A_637, %dma_wait3A_638, %dma_wait3A_639] : memref<4x2x100x64xf32, #tpu.memory_space<vmem>> -> memref<1x1x100x64xf32, #tpu.memory_space<vmem>>
        %dma_wait3A_641 = tpu.memref_squeeze %dma_wait3A_640 : memref<1x1x100x64xf32, #tpu.memory_space<vmem>> -> memref<100x64xf32, #tpu.memory_space<vmem>>
        %dma_wait3A_642 = arith.constant 0 : i32
        %dma_wait3A_643 = arith.constant 64 : i32
        %dma_wait3A_644 = tpu.memref_slice %arg5[%dma_wait3A_642, %dma_wait3A_643] : memref<409600x128xf32, #tpu.memory_space<hbm>> -> memref<100x64xf32, #tpu.memory_space<hbm>>
        %dma_wait3A_645 = arith.constant 0 : i32
        %dma_wait3A_646 = arith.constant 64 : i32
        %dma_wait3A_647 = tpu.memref_slice %arg5[%dma_wait3A_645, %dma_wait3A_646] : memref<409600x128xf32, #tpu.memory_space<hbm>> -> memref<100x64xf32, #tpu.memory_space<hbm>>
        %dma_wait3A_648 = arith.constant 0 : i32
        %dma_wait3A_649 = arith.constant 0 : i32
        %dma_wait3A_650 = tpu.memref_slice %arg8[%dma_wait3A_636, %dma_wait3A_637, %dma_wait3A_648, %dma_wait3A_649] : memref<4x2x100x64xf32, #tpu.memory_space<vmem>> -> memref<1x1x100x64xf32, #tpu.memory_space<vmem>>
        %dma_wait3A_651 = tpu.memref_squeeze %dma_wait3A_650 : memref<1x1x100x64xf32, #tpu.memory_space<vmem>> -> memref<100x64xf32, #tpu.memory_space<vmem>>
        tpu.wait_dma2 semaphore(%arg20 : memref<!tpu.dma_semaphore, #tpu.memory_space<semaphore_mem>>) src(%dma_wait3A_651 : memref<100x64xf32, #tpu.memory_space<vmem>>) dst(%dma_wait3A_647 : memref<100x64xf32, #tpu.memory_space<hbm>>)
      } else {
      }
      %dma_start3A_189 = arith.constant 3 : i32
      %dma_start3A_190 = arith.constant 0 : i32
      %dma_start3A_191 = arith.constant 0 : i32
      %dma_start3A_192 = arith.constant 0 : i32
      %dma_start3A_193 = tpu.memref_slice %arg8[%dma_start3A_189, %dma_start3A_190, %dma_start3A_191, %dma_start3A_192] : memref<4x2x100x64xf32, #tpu.memory_space<vmem>> -> memref<1x2x100x64xf32, #tpu.memory_space<vmem>>
      %dma_start3A_194 = tpu.memref_squeeze %dma_start3A_193 : memref<1x2x100x64xf32, #tpu.memory_space<vmem>> -> memref<2x100x64xf32, #tpu.memory_space<vmem>>
      %dma_start3A_195 = arith.constant 0 : i32
      %dma_start3A_196 = arith.constant 0 : i32
      %dma_start3A_197 = arith.constant 0 : i32
      %dma_start3A_198 = tpu.memref_slice %arg8[%dma_start3A_189, %dma_start3A_195, %dma_start3A_196, %dma_start3A_197] : memref<4x2x100x64xf32, #tpu.memory_space<vmem>> -> memref<1x2x100x64xf32, #tpu.memory_space<vmem>>
      %dma_start3A_199 = tpu.memref_squeeze %dma_start3A_198 : memref<1x2x100x64xf32, #tpu.memory_space<vmem>> -> memref<2x100x64xf32, #tpu.memory_space<vmem>>
      tpu.enqueue_dma source(%arg7 : memref<2x100x64xf32, #tpu.memory_space<vmem_shared>>) target(%dma_start3A_199 : memref<2x100x64xf32, #tpu.memory_space<vmem>>) target_semaphore(%arg12 : memref<!tpu.dma_semaphore, #tpu.memory_space<semaphore_mem>>)
      %mul3A_200 = arith.constant 4 : i32
      %mul3A_201 = arith.muli %scan3A_137, %mul3A_200 : i32
      %add3A_202 = arith.constant 0 : i32
      %add3A_203 = arith.addi %mul3A_201, %add3A_202 : i32
      %dma_wait3A_204 = arith.constant 0 : i32
      %dma_wait3A_205 = arith.constant 0 : i32
      %dma_wait3A_206 = arith.constant 0 : i32
      %dma_wait3A_207 = arith.constant 0 : i32
      %dma_wait3A_208 = tpu.memref_slice %arg8[%dma_wait3A_204, %dma_wait3A_205, %dma_wait3A_206, %dma_wait3A_207] : memref<4x2x100x64xf32, #tpu.memory_space<vmem>> -> memref<1x2x100x64xf32, #tpu.memory_space<vmem>>
      %dma_wait3A_209 = tpu.memref_squeeze %dma_wait3A_208 : memref<1x2x100x64xf32, #tpu.memory_space<vmem>> -> memref<2x100x64xf32, #tpu.memory_space<vmem>>
      %dma_wait3A_210 = arith.constant 0 : i32
      %dma_wait3A_211 = arith.constant 0 : i32
      %dma_wait3A_212 = arith.constant 0 : i32
      %dma_wait3A_213 = tpu.memref_slice %arg8[%dma_wait3A_204, %dma_wait3A_210, %dma_wait3A_211, %dma_wait3A_212] : memref<4x2x100x64xf32, #tpu.memory_space<vmem>> -> memref<1x2x100x64xf32, #tpu.memory_space<vmem>>
      %dma_wait3A_214 = tpu.memref_squeeze %dma_wait3A_213 : memref<1x2x100x64xf32, #tpu.memory_space<vmem>> -> memref<2x100x64xf32, #tpu.memory_space<vmem>>
      tpu.wait_dma2 semaphore(%arg9 : memref<!tpu.dma_semaphore, #tpu.memory_space<semaphore_mem>>) src(%arg7 : memref<2x100x64xf32, #tpu.memory_space<vmem_shared>>) dst(%dma_wait3A_214 : memref<2x100x64xf32, #tpu.memory_space<vmem>>)
      %dma_start3A_215 = arith.constant 0 : i32
      %dma_start3A_216 = arith.constant 0 : i32
      %dma_start3A_217 = arith.constant 0 : i32
      %dma_start3A_218 = arith.constant 0 : i32
      %dma_start3A_219 = arith.constant 0 : i32
      %dma_start3A_220 = tpu.memref_slice %arg8[%dma_start3A_216, %dma_start3A_217, %dma_start3A_218, %dma_start3A_219] : memref<4x2x100x64xf32, #tpu.memory_space<vmem>> -> memref<1x1x100x64xf32, #tpu.memory_space<vmem>>
      %dma_start3A_221 = tpu.memref_squeeze %dma_start3A_220 : memref<1x1x100x64xf32, #tpu.memory_space<vmem>> -> memref<100x64xf32, #tpu.memory_space<vmem>>
      %dma_start3A_222 = arith.constant 0 : i32
      %dma_start3A_223 = tpu.memref_slice %arg6[%add3A_203, %dma_start3A_215, %dma_start3A_222] : memref<128x2x100xi32, #tpu.memory_space<vmem>> -> memref<1x1x100xi32, #tpu.memory_space<vmem>>
      %dma_start3A_224 = tpu.memref_squeeze %dma_start3A_223 : memref<1x1x100xi32, #tpu.memory_space<vmem>> -> memref<100xi32, #tpu.memory_space<vmem>>
      %dma_start3A_225 = arith.constant 0 : i32
      %dma_start3A_226 = arith.constant 0 : i32
      %dma_start3A_227 = tpu.memref_slice %arg3[%dma_start3A_225, %dma_start3A_226] : memref<100000x64xf32, #tpu.memory_space<hbm>> -> memref<100000x64xf32, #tpu.memory_space<hbm>>
      tpu.enqueue_indirect_dma source(%dma_start3A_227 : memref<100000x64xf32, #tpu.memory_space<hbm>>) target(%dma_start3A_221 : memref<100x64xf32, #tpu.memory_space<vmem>>) offsets(%dma_start3A_224 : memref<100xi32, #tpu.memory_space<vmem>>) semaphore(%arg13 : memref<!tpu.dma_semaphore, #tpu.memory_space<semaphore_mem>>) {add = true}
      %dma_start3A_228 = arith.constant 1 : i32
      %dma_start3A_229 = arith.constant 0 : i32
      %dma_start3A_230 = arith.constant 1 : i32
      %dma_start3A_231 = arith.constant 0 : i32
      %dma_start3A_232 = arith.constant 0 : i32
      %dma_start3A_233 = tpu.memref_slice %arg8[%dma_start3A_229, %dma_start3A_230, %dma_start3A_231, %dma_start3A_232] : memref<4x2x100x64xf32, #tpu.memory_space<vmem>> -> memref<1x1x100x64xf32, #tpu.memory_space<vmem>>
      %dma_start3A_234 = tpu.memref_squeeze %dma_start3A_233 : memref<1x1x100x64xf32, #tpu.memory_space<vmem>> -> memref<100x64xf32, #tpu.memory_space<vmem>>
      %dma_start3A_235 = arith.constant 0 : i32
      %dma_start3A_236 = tpu.memref_slice %arg6[%add3A_203, %dma_start3A_228, %dma_start3A_235] : memref<128x2x100xi32, #tpu.memory_space<vmem>> -> memref<1x1x100xi32, #tpu.memory_space<vmem>>
      %dma_start3A_237 = tpu.memref_squeeze %dma_start3A_236 : memref<1x1x100xi32, #tpu.memory_space<vmem>> -> memref<100xi32, #tpu.memory_space<vmem>>
      %dma_start3A_238 = arith.constant 0 : i32
      %dma_start3A_239 = arith.constant 0 : i32
      %dma_start3A_240 = tpu.memref_slice %arg3[%dma_start3A_238, %dma_start3A_239] : memref<100000x64xf32, #tpu.memory_space<hbm>> -> memref<100000x64xf32, #tpu.memory_space<hbm>>
      tpu.enqueue_indirect_dma source(%dma_start3A_240 : memref<100000x64xf32, #tpu.memory_space<hbm>>) target(%dma_start3A_234 : memref<100x64xf32, #tpu.memory_space<vmem>>) offsets(%dma_start3A_237 : memref<100xi32, #tpu.memory_space<vmem>>) semaphore(%arg13 : memref<!tpu.dma_semaphore, #tpu.memory_space<semaphore_mem>>) {add = true}
      %mul3A_241 = arith.constant 4 : i32
      %mul3A_242 = arith.muli %scan3A_137, %mul3A_241 : i32
      %add3A_243 = arith.constant 1 : i32
      %add3A_244 = arith.addi %mul3A_242, %add3A_243 : i32
      %dma_wait3A_245 = arith.constant 1 : i32
      %dma_wait3A_246 = arith.constant 0 : i32
      %dma_wait3A_247 = arith.constant 0 : i32
      %dma_wait3A_248 = arith.constant 0 : i32
      %dma_wait3A_249 = tpu.memref_slice %arg8[%dma_wait3A_245, %dma_wait3A_246, %dma_wait3A_247, %dma_wait3A_248] : memref<4x2x100x64xf32, #tpu.memory_space<vmem>> -> memref<1x2x100x64xf32, #tpu.memory_space<vmem>>
      %dma_wait3A_250 = tpu.memref_squeeze %dma_wait3A_249 : memref<1x2x100x64xf32, #tpu.memory_space<vmem>> -> memref<2x100x64xf32, #tpu.memory_space<vmem>>
      %dma_wait3A_251 = arith.constant 0 : i32
      %dma_wait3A_252 = arith.constant 0 : i32
      %dma_wait3A_253 = arith.constant 0 : i32
      %dma_wait3A_254 = tpu.memref_slice %arg8[%dma_wait3A_245, %dma_wait3A_251, %dma_wait3A_252, %dma_wait3A_253] : memref<4x2x100x64xf32, #tpu.memory_space<vmem>> -> memref<1x2x100x64xf32, #tpu.memory_space<vmem>>
      %dma_wait3A_255 = tpu.memref_squeeze %dma_wait3A_254 : memref<1x2x100x64xf32, #tpu.memory_space<vmem>> -> memref<2x100x64xf32, #tpu.memory_space<vmem>>
      tpu.wait_dma2 semaphore(%arg10 : memref<!tpu.dma_semaphore, #tpu.memory_space<semaphore_mem>>) src(%arg7 : memref<2x100x64xf32, #tpu.memory_space<vmem_shared>>) dst(%dma_wait3A_255 : memref<2x100x64xf32, #tpu.memory_space<vmem>>)
      %dma_start3A_256 = arith.constant 0 : i32
      %dma_start3A_257 = arith.constant 1 : i32
      %dma_start3A_258 = arith.constant 0 : i32
      %dma_start3A_259 = arith.constant 0 : i32
      %dma_start3A_260 = arith.constant 0 : i32
      %dma_start3A_261 = tpu.memref_slice %arg8[%dma_start3A_257, %dma_start3A_258, %dma_start3A_259, %dma_start3A_260] : memref<4x2x100x64xf32, #tpu.memory_space<vmem>> -> memref<1x1x100x64xf32, #tpu.memory_space<vmem>>
      %dma_start3A_262 = tpu.memref_squeeze %dma_start3A_261 : memref<1x1x100x64xf32, #tpu.memory_space<vmem>> -> memref<100x64xf32, #tpu.memory_space<vmem>>
      %dma_start3A_263 = arith.constant 0 : i32
      %dma_start3A_264 = tpu.memref_slice %arg6[%add3A_244, %dma_start3A_256, %dma_start3A_263] : memref<128x2x100xi32, #tpu.memory_space<vmem>> -> memref<1x1x100xi32, #tpu.memory_space<vmem>>
      %dma_start3A_265 = tpu.memref_squeeze %dma_start3A_264 : memref<1x1x100xi32, #tpu.memory_space<vmem>> -> memref<100xi32, #tpu.memory_space<vmem>>
      %dma_start3A_266 = arith.constant 0 : i32
      %dma_start3A_267 = arith.constant 0 : i32
      %dma_start3A_268 = tpu.memref_slice %arg3[%dma_start3A_266, %dma_start3A_267] : memref<100000x64xf32, #tpu.memory_space<hbm>> -> memref<100000x64xf32, #tpu.memory_space<hbm>>
      tpu.enqueue_indirect_dma source(%dma_start3A_268 : memref<100000x64xf32, #tpu.memory_space<hbm>>) target(%dma_start3A_262 : memref<100x64xf32, #tpu.memory_space<vmem>>) offsets(%dma_start3A_265 : memref<100xi32, #tpu.memory_space<vmem>>) semaphore(%arg14 : memref<!tpu.dma_semaphore, #tpu.memory_space<semaphore_mem>>) {add = true}
      %dma_start3A_269 = arith.constant 1 : i32
      %dma_start3A_270 = arith.constant 1 : i32
      %dma_start3A_271 = arith.constant 1 : i32
      %dma_start3A_272 = arith.constant 0 : i32
      %dma_start3A_273 = arith.constant 0 : i32
      %dma_start3A_274 = tpu.memref_slice %arg8[%dma_start3A_270, %dma_start3A_271, %dma_start3A_272, %dma_start3A_273] : memref<4x2x100x64xf32, #tpu.memory_space<vmem>> -> memref<1x1x100x64xf32, #tpu.memory_space<vmem>>
      %dma_start3A_275 = tpu.memref_squeeze %dma_start3A_274 : memref<1x1x100x64xf32, #tpu.memory_space<vmem>> -> memref<100x64xf32, #tpu.memory_space<vmem>>
      %dma_start3A_276 = arith.constant 0 : i32
      %dma_start3A_277 = tpu.memref_slice %arg6[%add3A_244, %dma_start3A_269, %dma_start3A_276] : memref<128x2x100xi32, #tpu.memory_space<vmem>> -> memref<1x1x100xi32, #tpu.memory_space<vmem>>
      %dma_start3A_278 = tpu.memref_squeeze %dma_start3A_277 : memref<1x1x100xi32, #tpu.memory_space<vmem>> -> memref<100xi32, #tpu.memory_space<vmem>>
      %dma_start3A_279 = arith.constant 0 : i32
      %dma_start3A_280 = arith.constant 0 : i32
      %dma_start3A_281 = tpu.memref_slice %arg3[%dma_start3A_279, %dma_start3A_280] : memref<100000x64xf32, #tpu.memory_space<hbm>> -> memref<100000x64xf32, #tpu.memory_space<hbm>>
      tpu.enqueue_indirect_dma source(%dma_start3A_281 : memref<100000x64xf32, #tpu.memory_space<hbm>>) target(%dma_start3A_275 : memref<100x64xf32, #tpu.memory_space<vmem>>) offsets(%dma_start3A_278 : memref<100xi32, #tpu.memory_space<vmem>>) semaphore(%arg14 : memref<!tpu.dma_semaphore, #tpu.memory_space<semaphore_mem>>) {add = true}
      %mul3A_282 = arith.constant 4 : i32
      %mul3A_283 = arith.muli %scan3A_137, %mul3A_282 : i32
      %add3A_284 = arith.constant 2 : i32
      %add3A_285 = arith.addi %mul3A_283, %add3A_284 : i32
      %dma_wait3A_286 = arith.constant 2 : i32
      %dma_wait3A_287 = arith.constant 0 : i32
      %dma_wait3A_288 = arith.constant 0 : i32
      %dma_wait3A_289 = arith.constant 0 : i32
      %dma_wait3A_290 = tpu.memref_slice %arg8[%dma_wait3A_286, %dma_wait3A_287, %dma_wait3A_288, %dma_wait3A_289] : memref<4x2x100x64xf32, #tpu.memory_space<vmem>> -> memref<1x2x100x64xf32, #tpu.memory_space<vmem>>
      %dma_wait3A_291 = tpu.memref_squeeze %dma_wait3A_290 : memref<1x2x100x64xf32, #tpu.memory_space<vmem>> -> memref<2x100x64xf32, #tpu.memory_space<vmem>>
      %dma_wait3A_292 = arith.constant 0 : i32
      %dma_wait3A_293 = arith.constant 0 : i32
      %dma_wait3A_294 = arith.constant 0 : i32
      %dma_wait3A_295 = tpu.memref_slice %arg8[%dma_wait3A_286, %dma_wait3A_292, %dma_wait3A_293, %dma_wait3A_294] : memref<4x2x100x64xf32, #tpu.memory_space<vmem>> -> memref<1x2x100x64xf32, #tpu.memory_space<vmem>>
      %dma_wait3A_296 = tpu.memref_squeeze %dma_wait3A_295 : memref<1x2x100x64xf32, #tpu.memory_space<vmem>> -> memref<2x100x64xf32, #tpu.memory_space<vmem>>
      tpu.wait_dma2 semaphore(%arg11 : memref<!tpu.dma_semaphore, #tpu.memory_space<semaphore_mem>>) src(%arg7 : memref<2x100x64xf32, #tpu.memory_space<vmem_shared>>) dst(%dma_wait3A_296 : memref<2x100x64xf32, #tpu.memory_space<vmem>>)
      %dma_start3A_297 = arith.constant 0 : i32
      %dma_start3A_298 = arith.constant 2 : i32
      %dma_start3A_299 = arith.constant 0 : i32
      %dma_start3A_300 = arith.constant 0 : i32
      %dma_start3A_301 = arith.constant 0 : i32
      %dma_start3A_302 = tpu.memref_slice %arg8[%dma_start3A_298, %dma_start3A_299, %dma_start3A_300, %dma_start3A_301] : memref<4x2x100x64xf32, #tpu.memory_space<vmem>> -> memref<1x1x100x64xf32, #tpu.memory_space<vmem>>
      %dma_start3A_303 = tpu.memref_squeeze %dma_start3A_302 : memref<1x1x100x64xf32, #tpu.memory_space<vmem>> -> memref<100x64xf32, #tpu.memory_space<vmem>>
      %dma_start3A_304 = arith.constant 0 : i32
      %dma_start3A_305 = tpu.memref_slice %arg6[%add3A_285, %dma_start3A_297, %dma_start3A_304] : memref<128x2x100xi32, #tpu.memory_space<vmem>> -> memref<1x1x100xi32, #tpu.memory_space<vmem>>
      %dma_start3A_306 = tpu.memref_squeeze %dma_start3A_305 : memref<1x1x100xi32, #tpu.memory_space<vmem>> -> memref<100xi32, #tpu.memory_space<vmem>>
      %dma_start3A_307 = arith.constant 0 : i32
      %dma_start3A_308 = arith.constant 0 : i32
      %dma_start3A_309 = tpu.memref_slice %arg3[%dma_start3A_307, %dma_start3A_308] : memref<100000x64xf32, #tpu.memory_space<hbm>> -> memref<100000x64xf32, #tpu.memory_space<hbm>>
      tpu.enqueue_indirect_dma source(%dma_start3A_309 : memref<100000x64xf32, #tpu.memory_space<hbm>>) target(%dma_start3A_303 : memref<100x64xf32, #tpu.memory_space<vmem>>) offsets(%dma_start3A_306 : memref<100xi32, #tpu.memory_space<vmem>>) semaphore(%arg15 : memref<!tpu.dma_semaphore, #tpu.memory_space<semaphore_mem>>) {add = true}
      %dma_start3A_310 = arith.constant 1 : i32
      %dma_start3A_311 = arith.constant 2 : i32
      %dma_start3A_312 = arith.constant 1 : i32
      %dma_start3A_313 = arith.constant 0 : i32
      %dma_start3A_314 = arith.constant 0 : i32
      %dma_start3A_315 = tpu.memref_slice %arg8[%dma_start3A_311, %dma_start3A_312, %dma_start3A_313, %dma_start3A_314] : memref<4x2x100x64xf32, #tpu.memory_space<vmem>> -> memref<1x1x100x64xf32, #tpu.memory_space<vmem>>
      %dma_start3A_316 = tpu.memref_squeeze %dma_start3A_315 : memref<1x1x100x64xf32, #tpu.memory_space<vmem>> -> memref<100x64xf32, #tpu.memory_space<vmem>>
      %dma_start3A_317 = arith.constant 0 : i32
      %dma_start3A_318 = tpu.memref_slice %arg6[%add3A_285, %dma_start3A_310, %dma_start3A_317] : memref<128x2x100xi32, #tpu.memory_space<vmem>> -> memref<1x1x100xi32, #tpu.memory_space<vmem>>
      %dma_start3A_319 = tpu.memref_squeeze %dma_start3A_318 : memref<1x1x100xi32, #tpu.memory_space<vmem>> -> memref<100xi32, #tpu.memory_space<vmem>>
      %dma_start3A_320 = arith.constant 0 : i32
      %dma_start3A_321 = arith.constant 0 : i32
      %dma_start3A_322 = tpu.memref_slice %arg3[%dma_start3A_320, %dma_start3A_321] : memref<100000x64xf32, #tpu.memory_space<hbm>> -> memref<100000x64xf32, #tpu.memory_space<hbm>>
      tpu.enqueue_indirect_dma source(%dma_start3A_322 : memref<100000x64xf32, #tpu.memory_space<hbm>>) target(%dma_start3A_316 : memref<100x64xf32, #tpu.memory_space<vmem>>) offsets(%dma_start3A_319 : memref<100xi32, #tpu.memory_space<vmem>>) semaphore(%arg15 : memref<!tpu.dma_semaphore, #tpu.memory_space<semaphore_mem>>) {add = true}
      %mul3A_323 = arith.constant 4 : i32
      %mul3A_324 = arith.muli %scan3A_137, %mul3A_323 : i32
      %add3A_325 = arith.constant 3 : i32
      %add3A_326 = arith.addi %mul3A_324, %add3A_325 : i32
      %dma_wait3A_327 = arith.constant 3 : i32
      %dma_wait3A_328 = arith.constant 0 : i32
      %dma_wait3A_329 = arith.constant 0 : i32
      %dma_wait3A_330 = arith.constant 0 : i32
      %dma_wait3A_331 = tpu.memref_slice %arg8[%dma_wait3A_327, %dma_wait3A_328, %dma_wait3A_329, %dma_wait3A_330] : memref<4x2x100x64xf32, #tpu.memory_space<vmem>> -> memref<1x2x100x64xf32, #tpu.memory_space<vmem>>
      %dma_wait3A_332 = tpu.memref_squeeze %dma_wait3A_331 : memref<1x2x100x64xf32, #tpu.memory_space<vmem>> -> memref<2x100x64xf32, #tpu.memory_space<vmem>>
      %dma_wait3A_333 = arith.constant 0 : i32
      %dma_wait3A_334 = arith.constant 0 : i32
      %dma_wait3A_335 = arith.constant 0 : i32
      %dma_wait3A_336 = tpu.memref_slice %arg8[%dma_wait3A_327, %dma_wait3A_333, %dma_wait3A_334, %dma_wait3A_335] : memref<4x2x100x64xf32, #tpu.memory_space<vmem>> -> memref<1x2x100x64xf32, #tpu.memory_space<vmem>>
      %dma_wait3A_337 = tpu.memref_squeeze %dma_wait3A_336 : memref<1x2x100x64xf32, #tpu.memory_space<vmem>> -> memref<2x100x64xf32, #tpu.memory_space<vmem>>
      tpu.wait_dma2 semaphore(%arg12 : memref<!tpu.dma_semaphore, #tpu.memory_space<semaphore_mem>>) src(%arg7 : memref<2x100x64xf32, #tpu.memory_space<vmem_shared>>) dst(%dma_wait3A_337 : memref<2x100x64xf32, #tpu.memory_space<vmem>>)
      %dma_start3A_338 = arith.constant 0 : i32
      %dma_start3A_339 = arith.constant 3 : i32
      %dma_start3A_340 = arith.constant 0 : i32
      %dma_start3A_341 = arith.constant 0 : i32
      %dma_start3A_342 = arith.constant 0 : i32
      %dma_start3A_343 = tpu.memref_slice %arg8[%dma_start3A_339, %dma_start3A_340, %dma_start3A_341, %dma_start3A_342] : memref<4x2x100x64xf32, #tpu.memory_space<vmem>> -> memref<1x1x100x64xf32, #tpu.memory_space<vmem>>
      %dma_start3A_344 = tpu.memref_squeeze %dma_start3A_343 : memref<1x1x100x64xf32, #tpu.memory_space<vmem>> -> memref<100x64xf32, #tpu.memory_space<vmem>>
      %dma_start3A_345 = arith.constant 0 : i32
      %dma_start3A_346 = tpu.memref_slice %arg6[%add3A_326, %dma_start3A_338, %dma_start3A_345] : memref<128x2x100xi32, #tpu.memory_space<vmem>> -> memref<1x1x100xi32, #tpu.memory_space<vmem>>
      %dma_start3A_347 = tpu.memref_squeeze %dma_start3A_346 : memref<1x1x100xi32, #tpu.memory_space<vmem>> -> memref<100xi32, #tpu.memory_space<vmem>>
      %dma_start3A_348 = arith.constant 0 : i32
      %dma_start3A_349 = arith.constant 0 : i32
      %dma_start3A_350 = tpu.memref_slice %arg3[%dma_start3A_348, %dma_start3A_349] : memref<100000x64xf32, #tpu.memory_space<hbm>> -> memref<100000x64xf32, #tpu.memory_space<hbm>>
      tpu.enqueue_indirect_dma source(%dma_start3A_350 : memref<100000x64xf32, #tpu.memory_space<hbm>>) target(%dma_start3A_344 : memref<100x64xf32, #tpu.memory_space<vmem>>) offsets(%dma_start3A_347 : memref<100xi32, #tpu.memory_space<vmem>>) semaphore(%arg16 : memref<!tpu.dma_semaphore, #tpu.memory_space<semaphore_mem>>) {add = true}
      %dma_start3A_351 = arith.constant 1 : i32
      %dma_start3A_352 = arith.constant 3 : i32
      %dma_start3A_353 = arith.constant 1 : i32
      %dma_start3A_354 = arith.constant 0 : i32
      %dma_start3A_355 = arith.constant 0 : i32
      %dma_start3A_356 = tpu.memref_slice %arg8[%dma_start3A_352, %dma_start3A_353, %dma_start3A_354, %dma_start3A_355] : memref<4x2x100x64xf32, #tpu.memory_space<vmem>> -> memref<1x1x100x64xf32, #tpu.memory_space<vmem>>
      %dma_start3A_357 = tpu.memref_squeeze %dma_start3A_356 : memref<1x1x100x64xf32, #tpu.memory_space<vmem>> -> memref<100x64xf32, #tpu.memory_space<vmem>>
      %dma_start3A_358 = arith.constant 0 : i32
      %dma_start3A_359 = tpu.memref_slice %arg6[%add3A_326, %dma_start3A_351, %dma_start3A_358] : memref<128x2x100xi32, #tpu.memory_space<vmem>> -> memref<1x1x100xi32, #tpu.memory_space<vmem>>
      %dma_start3A_360 = tpu.memref_squeeze %dma_start3A_359 : memref<1x1x100xi32, #tpu.memory_space<vmem>> -> memref<100xi32, #tpu.memory_space<vmem>>
      %dma_start3A_361 = arith.constant 0 : i32
      %dma_start3A_362 = arith.constant 0 : i32
      %dma_start3A_363 = tpu.memref_slice %arg3[%dma_start3A_361, %dma_start3A_362] : memref<100000x64xf32, #tpu.memory_space<hbm>> -> memref<100000x64xf32, #tpu.memory_space<hbm>>
      tpu.enqueue_indirect_dma source(%dma_start3A_363 : memref<100000x64xf32, #tpu.memory_space<hbm>>) target(%dma_start3A_357 : memref<100x64xf32, #tpu.memory_space<vmem>>) offsets(%dma_start3A_360 : memref<100xi32, #tpu.memory_space<vmem>>) semaphore(%arg16 : memref<!tpu.dma_semaphore, #tpu.memory_space<semaphore_mem>>) {add = true}
      %mul3A_364 = arith.constant 4 : i32
      %mul3A_365 = arith.muli %scan3A_137, %mul3A_364 : i32
      %add3A_366 = arith.constant 0 : i32
      %add3A_367 = arith.addi %mul3A_365, %add3A_366 : i32
      %dma_wait3A_368 = arith.constant 0 : i32
      %dma_wait3A_369 = arith.constant 0 : i32
      %dma_wait3A_370 = arith.constant 0 : i32
      %dma_wait3A_371 = arith.constant 0 : i32
      %dma_wait3A_372 = arith.constant 0 : i32
      %dma_wait3A_373 = tpu.memref_slice %arg8[%dma_wait3A_369, %dma_wait3A_370, %dma_wait3A_371, %dma_wait3A_372] : memref<4x2x100x64xf32, #tpu.memory_space<vmem>> -> memref<1x1x100x64xf32, #tpu.memory_space<vmem>>
      %dma_wait3A_374 = tpu.memref_squeeze %dma_wait3A_373 : memref<1x1x100x64xf32, #tpu.memory_space<vmem>> -> memref<100x64xf32, #tpu.memory_space<vmem>>
      %dma_wait3A_375 = arith.constant 0 : i32
      %dma_wait3A_376 = tpu.memref_slice %arg6[%add3A_367, %dma_wait3A_368, %dma_wait3A_375] : memref<128x2x100xi32, #tpu.memory_space<vmem>> -> memref<1x1x100xi32, #tpu.memory_space<vmem>>
      %dma_wait3A_377 = tpu.memref_squeeze %dma_wait3A_376 : memref<1x1x100xi32, #tpu.memory_space<vmem>> -> memref<100xi32, #tpu.memory_space<vmem>>
      %dma_wait3A_378 = arith.constant 0 : i32
      %dma_wait3A_379 = arith.constant 0 : i32
      %dma_wait3A_380 = tpu.memref_slice %arg3[%dma_wait3A_378, %dma_wait3A_379] : memref<100000x64xf32, #tpu.memory_space<hbm>> -> memref<100000x64xf32, #tpu.memory_space<hbm>>
      tpu.wait_indirect_dma semaphore(%arg13 : memref<!tpu.dma_semaphore, #tpu.memory_space<semaphore_mem>>) src(%dma_wait3A_380 : memref<100000x64xf32, #tpu.memory_space<hbm>>) dst(%dma_wait3A_374 : memref<100x64xf32, #tpu.memory_space<vmem>>)
      %dma_wait3A_381 = arith.constant 1 : i32
      %dma_wait3A_382 = arith.constant 0 : i32
      %dma_wait3A_383 = arith.constant 1 : i32
      %dma_wait3A_384 = arith.constant 0 : i32
      %dma_wait3A_385 = arith.constant 0 : i32
      %dma_wait3A_386 = tpu.memref_slice %arg8[%dma_wait3A_382, %dma_wait3A_383, %dma_wait3A_384, %dma_wait3A_385] : memref<4x2x100x64xf32, #tpu.memory_space<vmem>> -> memref<1x1x100x64xf32, #tpu.memory_space<vmem>>
      %dma_wait3A_387 = tpu.memref_squeeze %dma_wait3A_386 : memref<1x1x100x64xf32, #tpu.memory_space<vmem>> -> memref<100x64xf32, #tpu.memory_space<vmem>>
      %dma_wait3A_388 = arith.constant 0 : i32
      %dma_wait3A_389 = tpu.memref_slice %arg6[%add3A_367, %dma_wait3A_381, %dma_wait3A_388] : memref<128x2x100xi32, #tpu.memory_space<vmem>> -> memref<1x1x100xi32, #tpu.memory_space<vmem>>
      %dma_wait3A_390 = tpu.memref_squeeze %dma_wait3A_389 : memref<1x1x100xi32, #tpu.memory_space<vmem>> -> memref<100xi32, #tpu.memory_space<vmem>>
      %dma_wait3A_391 = arith.constant 0 : i32
      %dma_wait3A_392 = arith.constant 0 : i32
      %dma_wait3A_393 = tpu.memref_slice %arg3[%dma_wait3A_391, %dma_wait3A_392] : memref<100000x64xf32, #tpu.memory_space<hbm>> -> memref<100000x64xf32, #tpu.memory_space<hbm>>
      tpu.wait_indirect_dma semaphore(%arg13 : memref<!tpu.dma_semaphore, #tpu.memory_space<semaphore_mem>>) src(%dma_wait3A_393 : memref<100000x64xf32, #tpu.memory_space<hbm>>) dst(%dma_wait3A_387 : memref<100x64xf32, #tpu.memory_space<vmem>>)
      %add3A_394 = arith.addi %mul3A_2, %add3A_367 : i32
      %mul3A_395 = arith.constant 100 : i32
      %mul3A_396 = arith.muli %add3A_394, %mul3A_395 : i32
      %dma_start3A_397 = arith.constant 0 : i32
      %dma_start3A_398 = arith.constant 0 : i32
      %dma_start3A_399 = arith.constant 0 : i32
      %dma_start3A_400 = arith.constant 0 : i32
      %dma_start3A_401 = tpu.memref_slice %arg8[%dma_start3A_397, %dma_start3A_398, %dma_start3A_399, %dma_start3A_400] : memref<4x2x100x64xf32, #tpu.memory_space<vmem>> -> memref<1x1x100x64xf32, #tpu.memory_space<vmem>>
      %dma_start3A_402 = tpu.memref_squeeze %dma_start3A_401 : memref<1x1x100x64xf32, #tpu.memory_space<vmem>> -> memref<100x64xf32, #tpu.memory_space<vmem>>
      %dma_start3A_403 = arith.constant 0 : i32
      %dma_start3A_404 = tpu.memref_slice %arg5[%mul3A_396, %dma_start3A_403] : memref<409600x128xf32, #tpu.memory_space<hbm>> -> memref<100x64xf32, #tpu.memory_space<hbm>>
      %dma_start3A_405 = arith.constant 0 : i32
      %dma_start3A_406 = tpu.memref_slice %arg5[%mul3A_396, %dma_start3A_405] : memref<409600x128xf32, #tpu.memory_space<hbm>> -> memref<100x64xf32, #tpu.memory_space<hbm>>
      %dma_start3A_407 = arith.constant 0 : i32
      %dma_start3A_408 = arith.constant 0 : i32
      %dma_start3A_409 = tpu.memref_slice %arg8[%dma_start3A_397, %dma_start3A_398, %dma_start3A_407, %dma_start3A_408] : memref<4x2x100x64xf32, #tpu.memory_space<vmem>> -> memref<1x1x100x64xf32, #tpu.memory_space<vmem>>
      %dma_start3A_410 = tpu.memref_squeeze %dma_start3A_409 : memref<1x1x100x64xf32, #tpu.memory_space<vmem>> -> memref<100x64xf32, #tpu.memory_space<vmem>>
      tpu.enqueue_dma source(%dma_start3A_410 : memref<100x64xf32, #tpu.memory_space<vmem>>) target(%dma_start3A_406 : memref<100x64xf32, #tpu.memory_space<hbm>>) target_semaphore(%arg17 : memref<!tpu.dma_semaphore, #tpu.memory_space<semaphore_mem>>)
      %add3A_411 = arith.addi %mul3A_2, %add3A_367 : i32
      %mul3A_412 = arith.constant 100 : i32
      %mul3A_413 = arith.muli %add3A_411, %mul3A_412 : i32
      %dma_start3A_414 = arith.constant 0 : i32
      %dma_start3A_415 = arith.constant 1 : i32
      %dma_start3A_416 = arith.constant 0 : i32
      %dma_start3A_417 = arith.constant 0 : i32
      %dma_start3A_418 = tpu.memref_slice %arg8[%dma_start3A_414, %dma_start3A_415, %dma_start3A_416, %dma_start3A_417] : memref<4x2x100x64xf32, #tpu.memory_space<vmem>> -> memref<1x1x100x64xf32, #tpu.memory_space<vmem>>
      %dma_start3A_419 = tpu.memref_squeeze %dma_start3A_418 : memref<1x1x100x64xf32, #tpu.memory_space<vmem>> -> memref<100x64xf32, #tpu.memory_space<vmem>>
      %dma_start3A_420 = arith.constant 64 : i32
      %dma_start3A_421 = tpu.memref_slice %arg5[%mul3A_413, %dma_start3A_420] : memref<409600x128xf32, #tpu.memory_space<hbm>> -> memref<100x64xf32, #tpu.memory_space<hbm>>
      %dma_start3A_422 = arith.constant 64 : i32
      %dma_start3A_423 = tpu.memref_slice %arg5[%mul3A_413, %dma_start3A_422] : memref<409600x128xf32, #tpu.memory_space<hbm>> -> memref<100x64xf32, #tpu.memory_space<hbm>>
      %dma_start3A_424 = arith.constant 0 : i32
      %dma_start3A_425 = arith.constant 0 : i32
      %dma_start3A_426 = tpu.memref_slice %arg8[%dma_start3A_414, %dma_start3A_415, %dma_start3A_424, %dma_start3A_425] : memref<4x2x100x64xf32, #tpu.memory_space<vmem>> -> memref<1x1x100x64xf32, #tpu.memory_space<vmem>>
      %dma_start3A_427 = tpu.memref_squeeze %dma_start3A_426 : memref<1x1x100x64xf32, #tpu.memory_space<vmem>> -> memref<100x64xf32, #tpu.memory_space<vmem>>
      tpu.enqueue_dma source(%dma_start3A_427 : memref<100x64xf32, #tpu.memory_space<vmem>>) target(%dma_start3A_423 : memref<100x64xf32, #tpu.memory_space<hbm>>) target_semaphore(%arg17 : memref<!tpu.dma_semaphore, #tpu.memory_space<semaphore_mem>>)
      %mul3A_428 = arith.constant 4 : i32
      %mul3A_429 = arith.muli %scan3A_137, %mul3A_428 : i32
      %add3A_430 = arith.constant 1 : i32
      %add3A_431 = arith.addi %mul3A_429, %add3A_430 : i32
      %dma_wait3A_432 = arith.constant 0 : i32
      %dma_wait3A_433 = arith.constant 1 : i32
      %dma_wait3A_434 = arith.constant 0 : i32
      %dma_wait3A_435 = arith.constant 0 : i32
      %dma_wait3A_436 = arith.constant 0 : i32
      %dma_wait3A_437 = tpu.memref_slice %arg8[%dma_wait3A_433, %dma_wait3A_434, %dma_wait3A_435, %dma_wait3A_436] : memref<4x2x100x64xf32, #tpu.memory_space<vmem>> -> memref<1x1x100x64xf32, #tpu.memory_space<vmem>>
      %dma_wait3A_438 = tpu.memref_squeeze %dma_wait3A_437 : memref<1x1x100x64xf32, #tpu.memory_space<vmem>> -> memref<100x64xf32, #tpu.memory_space<vmem>>
      %dma_wait3A_439 = arith.constant 0 : i32
      %dma_wait3A_440 = tpu.memref_slice %arg6[%add3A_431, %dma_wait3A_432, %dma_wait3A_439] : memref<128x2x100xi32, #tpu.memory_space<vmem>> -> memref<1x1x100xi32, #tpu.memory_space<vmem>>
      %dma_wait3A_441 = tpu.memref_squeeze %dma_wait3A_440 : memref<1x1x100xi32, #tpu.memory_space<vmem>> -> memref<100xi32, #tpu.memory_space<vmem>>
      %dma_wait3A_442 = arith.constant 0 : i32
      %dma_wait3A_443 = arith.constant 0 : i32
      %dma_wait3A_444 = tpu.memref_slice %arg3[%dma_wait3A_442, %dma_wait3A_443] : memref<100000x64xf32, #tpu.memory_space<hbm>> -> memref<100000x64xf32, #tpu.memory_space<hbm>>
      tpu.wait_indirect_dma semaphore(%arg14 : memref<!tpu.dma_semaphore, #tpu.memory_space<semaphore_mem>>) src(%dma_wait3A_444 : memref<100000x64xf32, #tpu.memory_space<hbm>>) dst(%dma_wait3A_438 : memref<100x64xf32, #tpu.memory_space<vmem>>)
      %dma_wait3A_445 = arith.constant 1 : i32
      %dma_wait3A_446 = arith.constant 1 : i32
      %dma_wait3A_447 = arith.constant 1 : i32
      %dma_wait3A_448 = arith.constant 0 : i32
      %dma_wait3A_449 = arith.constant 0 : i32
      %dma_wait3A_450 = tpu.memref_slice %arg8[%dma_wait3A_446, %dma_wait3A_447, %dma_wait3A_448, %dma_wait3A_449] : memref<4x2x100x64xf32, #tpu.memory_space<vmem>> -> memref<1x1x100x64xf32, #tpu.memory_space<vmem>>
      %dma_wait3A_451 = tpu.memref_squeeze %dma_wait3A_450 : memref<1x1x100x64xf32, #tpu.memory_space<vmem>> -> memref<100x64xf32, #tpu.memory_space<vmem>>
      %dma_wait3A_452 = arith.constant 0 : i32
      %dma_wait3A_453 = tpu.memref_slice %arg6[%add3A_431, %dma_wait3A_445, %dma_wait3A_452] : memref<128x2x100xi32, #tpu.memory_space<vmem>> -> memref<1x1x100xi32, #tpu.memory_space<vmem>>
      %dma_wait3A_454 = tpu.memref_squeeze %dma_wait3A_453 : memref<1x1x100xi32, #tpu.memory_space<vmem>> -> memref<100xi32, #tpu.memory_space<vmem>>
      %dma_wait3A_455 = arith.constant 0 : i32
      %dma_wait3A_456 = arith.constant 0 : i32
      %dma_wait3A_457 = tpu.memref_slice %arg3[%dma_wait3A_455, %dma_wait3A_456] : memref<100000x64xf32, #tpu.memory_space<hbm>> -> memref<100000x64xf32, #tpu.memory_space<hbm>>
      tpu.wait_indirect_dma semaphore(%arg14 : memref<!tpu.dma_semaphore, #tpu.memory_space<semaphore_mem>>) src(%dma_wait3A_457 : memref<100000x64xf32, #tpu.memory_space<hbm>>) dst(%dma_wait3A_451 : memref<100x64xf32, #tpu.memory_space<vmem>>)
      %add3A_458 = arith.addi %mul3A_2, %add3A_431 : i32
      %mul3A_459 = arith.constant 100 : i32
      %mul3A_460 = arith.muli %add3A_458, %mul3A_459 : i32
      %dma_start3A_461 = arith.constant 1 : i32
      %dma_start3A_462 = arith.constant 0 : i32
      %dma_start3A_463 = arith.constant 0 : i32
      %dma_start3A_464 = arith.constant 0 : i32
      %dma_start3A_465 = tpu.memref_slice %arg8[%dma_start3A_461, %dma_start3A_462, %dma_start3A_463, %dma_start3A_464] : memref<4x2x100x64xf32, #tpu.memory_space<vmem>> -> memref<1x1x100x64xf32, #tpu.memory_space<vmem>>
      %dma_start3A_466 = tpu.memref_squeeze %dma_start3A_465 : memref<1x1x100x64xf32, #tpu.memory_space<vmem>> -> memref<100x64xf32, #tpu.memory_space<vmem>>
      %dma_start3A_467 = arith.constant 0 : i32
      %dma_start3A_468 = tpu.memref_slice %arg5[%mul3A_460, %dma_start3A_467] : memref<409600x128xf32, #tpu.memory_space<hbm>> -> memref<100x64xf32, #tpu.memory_space<hbm>>
      %dma_start3A_469 = arith.constant 0 : i32
      %dma_start3A_470 = tpu.memref_slice %arg5[%mul3A_460, %dma_start3A_469] : memref<409600x128xf32, #tpu.memory_space<hbm>> -> memref<100x64xf32, #tpu.memory_space<hbm>>
      %dma_start3A_471 = arith.constant 0 : i32
      %dma_start3A_472 = arith.constant 0 : i32
      %dma_start3A_473 = tpu.memref_slice %arg8[%dma_start3A_461, %dma_start3A_462, %dma_start3A_471, %dma_start3A_472] : memref<4x2x100x64xf32, #tpu.memory_space<vmem>> -> memref<1x1x100x64xf32, #tpu.memory_space<vmem>>
      %dma_start3A_474 = tpu.memref_squeeze %dma_start3A_473 : memref<1x1x100x64xf32, #tpu.memory_space<vmem>> -> memref<100x64xf32, #tpu.memory_space<vmem>>
      tpu.enqueue_dma source(%dma_start3A_474 : memref<100x64xf32, #tpu.memory_space<vmem>>) target(%dma_start3A_470 : memref<100x64xf32, #tpu.memory_space<hbm>>) target_semaphore(%arg18 : memref<!tpu.dma_semaphore, #tpu.memory_space<semaphore_mem>>)
      %add3A_475 = arith.addi %mul3A_2, %add3A_431 : i32
      %mul3A_476 = arith.constant 100 : i32
      %mul3A_477 = arith.muli %add3A_475, %mul3A_476 : i32
      %dma_start3A_478 = arith.constant 1 : i32
      %dma_start3A_479 = arith.constant 1 : i32
      %dma_start3A_480 = arith.constant 0 : i32
      %dma_start3A_481 = arith.constant 0 : i32
      %dma_start3A_482 = tpu.memref_slice %arg8[%dma_start3A_478, %dma_start3A_479, %dma_start3A_480, %dma_start3A_481] : memref<4x2x100x64xf32, #tpu.memory_space<vmem>> -> memref<1x1x100x64xf32, #tpu.memory_space<vmem>>
      %dma_start3A_483 = tpu.memref_squeeze %dma_start3A_482 : memref<1x1x100x64xf32, #tpu.memory_space<vmem>> -> memref<100x64xf32, #tpu.memory_space<vmem>>
      %dma_start3A_484 = arith.constant 64 : i32
      %dma_start3A_485 = tpu.memref_slice %arg5[%mul3A_477, %dma_start3A_484] : memref<409600x128xf32, #tpu.memory_space<hbm>> -> memref<100x64xf32, #tpu.memory_space<hbm>>
      %dma_start3A_486 = arith.constant 64 : i32
      %dma_start3A_487 = tpu.memref_slice %arg5[%mul3A_477, %dma_start3A_486] : memref<409600x128xf32, #tpu.memory_space<hbm>> -> memref<100x64xf32, #tpu.memory_space<hbm>>
      %dma_start3A_488 = arith.constant 0 : i32
      %dma_start3A_489 = arith.constant 0 : i32
      %dma_start3A_490 = tpu.memref_slice %arg8[%dma_start3A_478, %dma_start3A_479, %dma_start3A_488, %dma_start3A_489] : memref<4x2x100x64xf32, #tpu.memory_space<vmem>> -> memref<1x1x100x64xf32, #tpu.memory_space<vmem>>
      %dma_start3A_491 = tpu.memref_squeeze %dma_start3A_490 : memref<1x1x100x64xf32, #tpu.memory_space<vmem>> -> memref<100x64xf32, #tpu.memory_space<vmem>>
      tpu.enqueue_dma source(%dma_start3A_491 : memref<100x64xf32, #tpu.memory_space<vmem>>) target(%dma_start3A_487 : memref<100x64xf32, #tpu.memory_space<hbm>>) target_semaphore(%arg18 : memref<!tpu.dma_semaphore, #tpu.memory_space<semaphore_mem>>)
      %mul3A_492 = arith.constant 4 : i32
      %mul3A_493 = arith.muli %scan3A_137, %mul3A_492 : i32
      %add3A_494 = arith.constant 2 : i32
      %add3A_495 = arith.addi %mul3A_493, %add3A_494 : i32
      %dma_wait3A_496 = arith.constant 0 : i32
      %dma_wait3A_497 = arith.constant 2 : i32
      %dma_wait3A_498 = arith.constant 0 : i32
      %dma_wait3A_499 = arith.constant 0 : i32
      %dma_wait3A_500 = arith.constant 0 : i32
      %dma_wait3A_501 = tpu.memref_slice %arg8[%dma_wait3A_497, %dma_wait3A_498, %dma_wait3A_499, %dma_wait3A_500] : memref<4x2x100x64xf32, #tpu.memory_space<vmem>> -> memref<1x1x100x64xf32, #tpu.memory_space<vmem>>
      %dma_wait3A_502 = tpu.memref_squeeze %dma_wait3A_501 : memref<1x1x100x64xf32, #tpu.memory_space<vmem>> -> memref<100x64xf32, #tpu.memory_space<vmem>>
      %dma_wait3A_503 = arith.constant 0 : i32
      %dma_wait3A_504 = tpu.memref_slice %arg6[%add3A_495, %dma_wait3A_496, %dma_wait3A_503] : memref<128x2x100xi32, #tpu.memory_space<vmem>> -> memref<1x1x100xi32, #tpu.memory_space<vmem>>
      %dma_wait3A_505 = tpu.memref_squeeze %dma_wait3A_504 : memref<1x1x100xi32, #tpu.memory_space<vmem>> -> memref<100xi32, #tpu.memory_space<vmem>>
      %dma_wait3A_506 = arith.constant 0 : i32
      %dma_wait3A_507 = arith.constant 0 : i32
      %dma_wait3A_508 = tpu.memref_slice %arg3[%dma_wait3A_506, %dma_wait3A_507] : memref<100000x64xf32, #tpu.memory_space<hbm>> -> memref<100000x64xf32, #tpu.memory_space<hbm>>
      tpu.wait_indirect_dma semaphore(%arg15 : memref<!tpu.dma_semaphore, #tpu.memory_space<semaphore_mem>>) src(%dma_wait3A_508 : memref<100000x64xf32, #tpu.memory_space<hbm>>) dst(%dma_wait3A_502 : memref<100x64xf32, #tpu.memory_space<vmem>>)
      %dma_wait3A_509 = arith.constant 1 : i32
      %dma_wait3A_510 = arith.constant 2 : i32
      %dma_wait3A_511 = arith.constant 1 : i32
      %dma_wait3A_512 = arith.constant 0 : i32
      %dma_wait3A_513 = arith.constant 0 : i32
      %dma_wait3A_514 = tpu.memref_slice %arg8[%dma_wait3A_510, %dma_wait3A_511, %dma_wait3A_512, %dma_wait3A_513] : memref<4x2x100x64xf32, #tpu.memory_space<vmem>> -> memref<1x1x100x64xf32, #tpu.memory_space<vmem>>
      %dma_wait3A_515 = tpu.memref_squeeze %dma_wait3A_514 : memref<1x1x100x64xf32, #tpu.memory_space<vmem>> -> memref<100x64xf32, #tpu.memory_space<vmem>>
      %dma_wait3A_516 = arith.constant 0 : i32
      %dma_wait3A_517 = tpu.memref_slice %arg6[%add3A_495, %dma_wait3A_509, %dma_wait3A_516] : memref<128x2x100xi32, #tpu.memory_space<vmem>> -> memref<1x1x100xi32, #tpu.memory_space<vmem>>
      %dma_wait3A_518 = tpu.memref_squeeze %dma_wait3A_517 : memref<1x1x100xi32, #tpu.memory_space<vmem>> -> memref<100xi32, #tpu.memory_space<vmem>>
      %dma_wait3A_519 = arith.constant 0 : i32
      %dma_wait3A_520 = arith.constant 0 : i32
      %dma_wait3A_521 = tpu.memref_slice %arg3[%dma_wait3A_519, %dma_wait3A_520] : memref<100000x64xf32, #tpu.memory_space<hbm>> -> memref<100000x64xf32, #tpu.memory_space<hbm>>
      tpu.wait_indirect_dma semaphore(%arg15 : memref<!tpu.dma_semaphore, #tpu.memory_space<semaphore_mem>>) src(%dma_wait3A_521 : memref<100000x64xf32, #tpu.memory_space<hbm>>) dst(%dma_wait3A_515 : memref<100x64xf32, #tpu.memory_space<vmem>>)
      %add3A_522 = arith.addi %mul3A_2, %add3A_495 : i32
      %mul3A_523 = arith.constant 100 : i32
      %mul3A_524 = arith.muli %add3A_522, %mul3A_523 : i32
      %dma_start3A_525 = arith.constant 2 : i32
      %dma_start3A_526 = arith.constant 0 : i32
      %dma_start3A_527 = arith.constant 0 : i32
      %dma_start3A_528 = arith.constant 0 : i32
      %dma_start3A_529 = tpu.memref_slice %arg8[%dma_start3A_525, %dma_start3A_526, %dma_start3A_527, %dma_start3A_528] : memref<4x2x100x64xf32, #tpu.memory_space<vmem>> -> memref<1x1x100x64xf32, #tpu.memory_space<vmem>>
      %dma_start3A_530 = tpu.memref_squeeze %dma_start3A_529 : memref<1x1x100x64xf32, #tpu.memory_space<vmem>> -> memref<100x64xf32, #tpu.memory_space<vmem>>
      %dma_start3A_531 = arith.constant 0 : i32
      %dma_start3A_532 = tpu.memref_slice %arg5[%mul3A_524, %dma_start3A_531] : memref<409600x128xf32, #tpu.memory_space<hbm>> -> memref<100x64xf32, #tpu.memory_space<hbm>>
      %dma_start3A_533 = arith.constant 0 : i32
      %dma_start3A_534 = tpu.memref_slice %arg5[%mul3A_524, %dma_start3A_533] : memref<409600x128xf32, #tpu.memory_space<hbm>> -> memref<100x64xf32, #tpu.memory_space<hbm>>
      %dma_start3A_535 = arith.constant 0 : i32
      %dma_start3A_536 = arith.constant 0 : i32
      %dma_start3A_537 = tpu.memref_slice %arg8[%dma_start3A_525, %dma_start3A_526, %dma_start3A_535, %dma_start3A_536] : memref<4x2x100x64xf32, #tpu.memory_space<vmem>> -> memref<1x1x100x64xf32, #tpu.memory_space<vmem>>
      %dma_start3A_538 = tpu.memref_squeeze %dma_start3A_537 : memref<1x1x100x64xf32, #tpu.memory_space<vmem>> -> memref<100x64xf32, #tpu.memory_space<vmem>>
      tpu.enqueue_dma source(%dma_start3A_538 : memref<100x64xf32, #tpu.memory_space<vmem>>) target(%dma_start3A_534 : memref<100x64xf32, #tpu.memory_space<hbm>>) target_semaphore(%arg19 : memref<!tpu.dma_semaphore, #tpu.memory_space<semaphore_mem>>)
      %add3A_539 = arith.addi %mul3A_2, %add3A_495 : i32
      %mul3A_540 = arith.constant 100 : i32
      %mul3A_541 = arith.muli %add3A_539, %mul3A_540 : i32
      %dma_start3A_542 = arith.constant 2 : i32
      %dma_start3A_543 = arith.constant 1 : i32
      %dma_start3A_544 = arith.constant 0 : i32
      %dma_start3A_545 = arith.constant 0 : i32
      %dma_start3A_546 = tpu.memref_slice %arg8[%dma_start3A_542, %dma_start3A_543, %dma_start3A_544, %dma_start3A_545] : memref<4x2x100x64xf32, #tpu.memory_space<vmem>> -> memref<1x1x100x64xf32, #tpu.memory_space<vmem>>
      %dma_start3A_547 = tpu.memref_squeeze %dma_start3A_546 : memref<1x1x100x64xf32, #tpu.memory_space<vmem>> -> memref<100x64xf32, #tpu.memory_space<vmem>>
      %dma_start3A_548 = arith.constant 64 : i32
      %dma_start3A_549 = tpu.memref_slice %arg5[%mul3A_541, %dma_start3A_548] : memref<409600x128xf32, #tpu.memory_space<hbm>> -> memref<100x64xf32, #tpu.memory_space<hbm>>
      %dma_start3A_550 = arith.constant 64 : i32
      %dma_start3A_551 = tpu.memref_slice %arg5[%mul3A_541, %dma_start3A_550] : memref<409600x128xf32, #tpu.memory_space<hbm>> -> memref<100x64xf32, #tpu.memory_space<hbm>>
      %dma_start3A_552 = arith.constant 0 : i32
      %dma_start3A_553 = arith.constant 0 : i32
      %dma_start3A_554 = tpu.memref_slice %arg8[%dma_start3A_542, %dma_start3A_543, %dma_start3A_552, %dma_start3A_553] : memref<4x2x100x64xf32, #tpu.memory_space<vmem>> -> memref<1x1x100x64xf32, #tpu.memory_space<vmem>>
      %dma_start3A_555 = tpu.memref_squeeze %dma_start3A_554 : memref<1x1x100x64xf32, #tpu.memory_space<vmem>> -> memref<100x64xf32, #tpu.memory_space<vmem>>
      tpu.enqueue_dma source(%dma_start3A_555 : memref<100x64xf32, #tpu.memory_space<vmem>>) target(%dma_start3A_551 : memref<100x64xf32, #tpu.memory_space<hbm>>) target_semaphore(%arg19 : memref<!tpu.dma_semaphore, #tpu.memory_space<semaphore_mem>>)
      %mul3A_556 = arith.constant 4 : i32
      %mul3A_557 = arith.muli %scan3A_137, %mul3A_556 : i32
      %add3A_558 = arith.constant 3 : i32
      %add3A_559 = arith.addi %mul3A_557, %add3A_558 : i32
      %dma_wait3A_560 = arith.constant 0 : i32
      %dma_wait3A_561 = arith.constant 3 : i32
      %dma_wait3A_562 = arith.constant 0 : i32
      %dma_wait3A_563 = arith.constant 0 : i32
      %dma_wait3A_564 = arith.constant 0 : i32
      %dma_wait3A_565 = tpu.memref_slice %arg8[%dma_wait3A_561, %dma_wait3A_562, %dma_wait3A_563, %dma_wait3A_564] : memref<4x2x100x64xf32, #tpu.memory_space<vmem>> -> memref<1x1x100x64xf32, #tpu.memory_space<vmem>>
      %dma_wait3A_566 = tpu.memref_squeeze %dma_wait3A_565 : memref<1x1x100x64xf32, #tpu.memory_space<vmem>> -> memref<100x64xf32, #tpu.memory_space<vmem>>
      %dma_wait3A_567 = arith.constant 0 : i32
      %dma_wait3A_568 = tpu.memref_slice %arg6[%add3A_559, %dma_wait3A_560, %dma_wait3A_567] : memref<128x2x100xi32, #tpu.memory_space<vmem>> -> memref<1x1x100xi32, #tpu.memory_space<vmem>>
      %dma_wait3A_569 = tpu.memref_squeeze %dma_wait3A_568 : memref<1x1x100xi32, #tpu.memory_space<vmem>> -> memref<100xi32, #tpu.memory_space<vmem>>
      %dma_wait3A_570 = arith.constant 0 : i32
      %dma_wait3A_571 = arith.constant 0 : i32
      %dma_wait3A_572 = tpu.memref_slice %arg3[%dma_wait3A_570, %dma_wait3A_571] : memref<100000x64xf32, #tpu.memory_space<hbm>> -> memref<100000x64xf32, #tpu.memory_space<hbm>>
      tpu.wait_indirect_dma semaphore(%arg16 : memref<!tpu.dma_semaphore, #tpu.memory_space<semaphore_mem>>) src(%dma_wait3A_572 : memref<100000x64xf32, #tpu.memory_space<hbm>>) dst(%dma_wait3A_566 : memref<100x64xf32, #tpu.memory_space<vmem>>)
      %dma_wait3A_573 = arith.constant 1 : i32
      %dma_wait3A_574 = arith.constant 3 : i32
      %dma_wait3A_575 = arith.constant 1 : i32
      %dma_wait3A_576 = arith.constant 0 : i32
      %dma_wait3A_577 = arith.constant 0 : i32
      %dma_wait3A_578 = tpu.memref_slice %arg8[%dma_wait3A_574, %dma_wait3A_575, %dma_wait3A_576, %dma_wait3A_577] : memref<4x2x100x64xf32, #tpu.memory_space<vmem>> -> memref<1x1x100x64xf32, #tpu.memory_space<vmem>>
      %dma_wait3A_579 = tpu.memref_squeeze %dma_wait3A_578 : memref<1x1x100x64xf32, #tpu.memory_space<vmem>> -> memref<100x64xf32, #tpu.memory_space<vmem>>
      %dma_wait3A_580 = arith.constant 0 : i32
      %dma_wait3A_581 = tpu.memref_slice %arg6[%add3A_559, %dma_wait3A_573, %dma_wait3A_580] : memref<128x2x100xi32, #tpu.memory_space<vmem>> -> memref<1x1x100xi32, #tpu.memory_space<vmem>>
      %dma_wait3A_582 = tpu.memref_squeeze %dma_wait3A_581 : memref<1x1x100xi32, #tpu.memory_space<vmem>> -> memref<100xi32, #tpu.memory_space<vmem>>
      %dma_wait3A_583 = arith.constant 0 : i32
      %dma_wait3A_584 = arith.constant 0 : i32
      %dma_wait3A_585 = tpu.memref_slice %arg3[%dma_wait3A_583, %dma_wait3A_584] : memref<100000x64xf32, #tpu.memory_space<hbm>> -> memref<100000x64xf32, #tpu.memory_space<hbm>>
      tpu.wait_indirect_dma semaphore(%arg16 : memref<!tpu.dma_semaphore, #tpu.memory_space<semaphore_mem>>) src(%dma_wait3A_585 : memref<100000x64xf32, #tpu.memory_space<hbm>>) dst(%dma_wait3A_579 : memref<100x64xf32, #tpu.memory_space<vmem>>)
      %add3A_586 = arith.addi %mul3A_2, %add3A_559 : i32
      %mul3A_587 = arith.constant 100 : i32
      %mul3A_588 = arith.muli %add3A_586, %mul3A_587 : i32
      %dma_start3A_589 = arith.constant 3 : i32
      %dma_start3A_590 = arith.constant 0 : i32
      %dma_start3A_591 = arith.constant 0 : i32
      %dma_start3A_592 = arith.constant 0 : i32
      %dma_start3A_593 = tpu.memref_slice %arg8[%dma_start3A_589, %dma_start3A_590, %dma_start3A_591, %dma_start3A_592] : memref<4x2x100x64xf32, #tpu.memory_space<vmem>> -> memref<1x1x100x64xf32, #tpu.memory_space<vmem>>
      %dma_start3A_594 = tpu.memref_squeeze %dma_start3A_593 : memref<1x1x100x64xf32, #tpu.memory_space<vmem>> -> memref<100x64xf32, #tpu.memory_space<vmem>>
      %dma_start3A_595 = arith.constant 0 : i32
      %dma_start3A_596 = tpu.memref_slice %arg5[%mul3A_588, %dma_start3A_595] : memref<409600x128xf32, #tpu.memory_space<hbm>> -> memref<100x64xf32, #tpu.memory_space<hbm>>
      %dma_start3A_597 = arith.constant 0 : i32
      %dma_start3A_598 = tpu.memref_slice %arg5[%mul3A_588, %dma_start3A_597] : memref<409600x128xf32, #tpu.memory_space<hbm>> -> memref<100x64xf32, #tpu.memory_space<hbm>>
      %dma_start3A_599 = arith.constant 0 : i32
      %dma_start3A_600 = arith.constant 0 : i32
      %dma_start3A_601 = tpu.memref_slice %arg8[%dma_start3A_589, %dma_start3A_590, %dma_start3A_599, %dma_start3A_600] : memref<4x2x100x64xf32, #tpu.memory_space<vmem>> -> memref<1x1x100x64xf32, #tpu.memory_space<vmem>>
      %dma_start3A_602 = tpu.memref_squeeze %dma_start3A_601 : memref<1x1x100x64xf32, #tpu.memory_space<vmem>> -> memref<100x64xf32, #tpu.memory_space<vmem>>
      tpu.enqueue_dma source(%dma_start3A_602 : memref<100x64xf32, #tpu.memory_space<vmem>>) target(%dma_start3A_598 : memref<100x64xf32, #tpu.memory_space<hbm>>) target_semaphore(%arg20 : memref<!tpu.dma_semaphore, #tpu.memory_space<semaphore_mem>>)
      %add3A_603 = arith.addi %mul3A_2, %add3A_559 : i32
      %mul3A_604 = arith.constant 100 : i32
      %mul3A_605 = arith.muli %add3A_603, %mul3A_604 : i32
      %dma_start3A_606 = arith.constant 3 : i32
      %dma_start3A_607 = arith.constant 1 : i32
      %dma_start3A_608 = arith.constant 0 : i32
      %dma_start3A_609 = arith.constant 0 : i32
      %dma_start3A_610 = tpu.memref_slice %arg8[%dma_start3A_606, %dma_start3A_607, %dma_start3A_608, %dma_start3A_609] : memref<4x2x100x64xf32, #tpu.memory_space<vmem>> -> memref<1x1x100x64xf32, #tpu.memory_space<vmem>>
      %dma_start3A_611 = tpu.memref_squeeze %dma_start3A_610 : memref<1x1x100x64xf32, #tpu.memory_space<vmem>> -> memref<100x64xf32, #tpu.memory_space<vmem>>
      %dma_start3A_612 = arith.constant 64 : i32
      %dma_start3A_613 = tpu.memref_slice %arg5[%mul3A_605, %dma_start3A_612] : memref<409600x128xf32, #tpu.memory_space<hbm>> -> memref<100x64xf32, #tpu.memory_space<hbm>>
      %dma_start3A_614 = arith.constant 64 : i32
      %dma_start3A_615 = tpu.memref_slice %arg5[%mul3A_605, %dma_start3A_614] : memref<409600x128xf32, #tpu.memory_space<hbm>> -> memref<100x64xf32, #tpu.memory_space<hbm>>
      %dma_start3A_616 = arith.constant 0 : i32
      %dma_start3A_617 = arith.constant 0 : i32
      %dma_start3A_618 = tpu.memref_slice %arg8[%dma_start3A_606, %dma_start3A_607, %dma_start3A_616, %dma_start3A_617] : memref<4x2x100x64xf32, #tpu.memory_space<vmem>> -> memref<1x1x100x64xf32, #tpu.memory_space<vmem>>
      %dma_start3A_619 = tpu.memref_squeeze %dma_start3A_618 : memref<1x1x100x64xf32, #tpu.memory_space<vmem>> -> memref<100x64xf32, #tpu.memory_space<vmem>>
      tpu.enqueue_dma source(%dma_start3A_619 : memref<100x64xf32, #tpu.memory_space<vmem>>) target(%dma_start3A_615 : memref<100x64xf32, #tpu.memory_space<hbm>>) target_semaphore(%arg20 : memref<!tpu.dma_semaphore, #tpu.memory_space<semaphore_mem>>)
    }
    %scan3A_9 = arith.constant 32 : i32
    %dma_wait3A = arith.constant 0 : i32
    %dma_wait3A_10 = arith.constant 0 : i32
    %dma_wait3A_11 = arith.constant 0 : i32
    %dma_wait3A_12 = arith.constant 0 : i32
    %dma_wait3A_13 = tpu.memref_slice %arg8[%dma_wait3A, %dma_wait3A_10, %dma_wait3A_11, %dma_wait3A_12] : memref<4x2x100x64xf32, #tpu.memory_space<vmem>> -> memref<1x1x100x64xf32, #tpu.memory_space<vmem>>
    %dma_wait3A_14 = tpu.memref_squeeze %dma_wait3A_13 : memref<1x1x100x64xf32, #tpu.memory_space<vmem>> -> memref<100x64xf32, #tpu.memory_space<vmem>>
    %dma_wait3A_15 = arith.constant 0 : i32
    %dma_wait3A_16 = arith.constant 0 : i32
    %dma_wait3A_17 = tpu.memref_slice %arg5[%dma_wait3A_15, %dma_wait3A_16] : memref<409600x128xf32, #tpu.memory_space<hbm>> -> memref<100x64xf32, #tpu.memory_space<hbm>>
    %dma_wait3A_18 = arith.constant 0 : i32
    %dma_wait3A_19 = arith.constant 0 : i32
    %dma_wait3A_20 = tpu.memref_slice %arg5[%dma_wait3A_18, %dma_wait3A_19] : memref<409600x128xf32, #tpu.memory_space<hbm>> -> memref<100x64xf32, #tpu.memory_space<hbm>>
    %dma_wait3A_21 = arith.constant 0 : i32
    %dma_wait3A_22 = arith.constant 0 : i32
    %dma_wait3A_23 = tpu.memref_slice %arg8[%dma_wait3A, %dma_wait3A_10, %dma_wait3A_21, %dma_wait3A_22] : memref<4x2x100x64xf32, #tpu.memory_space<vmem>> -> memref<1x1x100x64xf32, #tpu.memory_space<vmem>>
    %dma_wait3A_24 = tpu.memref_squeeze %dma_wait3A_23 : memref<1x1x100x64xf32, #tpu.memory_space<vmem>> -> memref<100x64xf32, #tpu.memory_space<vmem>>
    tpu.wait_dma2 semaphore(%arg17 : memref<!tpu.dma_semaphore, #tpu.memory_space<semaphore_mem>>) src(%dma_wait3A_24 : memref<100x64xf32, #tpu.memory_space<vmem>>) dst(%dma_wait3A_20 : memref<100x64xf32, #tpu.memory_space<hbm>>)
    %dma_wait3A_25 = arith.constant 0 : i32
    %dma_wait3A_26 = arith.constant 1 : i32
    %dma_wait3A_27 = arith.constant 0 : i32
    %dma_wait3A_28 = arith.constant 0 : i32
    %dma_wait3A_29 = tpu.memref_slice %arg8[%dma_wait3A_25, %dma_wait3A_26, %dma_wait3A_27, %dma_wait3A_28] : memref<4x2x100x64xf32, #tpu.memory_space<vmem>> -> memref<1x1x100x64xf32, #tpu.memory_space<vmem>>
    %dma_wait3A_30 = tpu.memref_squeeze %dma_wait3A_29 : memref<1x1x100x64xf32, #tpu.memory_space<vmem>> -> memref<100x64xf32, #tpu.memory_space<vmem>>
    %dma_wait3A_31 = arith.constant 0 : i32
    %dma_wait3A_32 = arith.constant 64 : i32
    %dma_wait3A_33 = tpu.memref_slice %arg5[%dma_wait3A_31, %dma_wait3A_32] : memref<409600x128xf32, #tpu.memory_space<hbm>> -> memref<100x64xf32, #tpu.memory_space<hbm>>
    %dma_wait3A_34 = arith.constant 0 : i32
    %dma_wait3A_35 = arith.constant 64 : i32
    %dma_wait3A_36 = tpu.memref_slice %arg5[%dma_wait3A_34, %dma_wait3A_35] : memref<409600x128xf32, #tpu.memory_space<hbm>> -> memref<100x64xf32, #tpu.memory_space<hbm>>
    %dma_wait3A_37 = arith.constant 0 : i32
    %dma_wait3A_38 = arith.constant 0 : i32
    %dma_wait3A_39 = tpu.memref_slice %arg8[%dma_wait3A_25, %dma_wait3A_26, %dma_wait3A_37, %dma_wait3A_38] : memref<4x2x100x64xf32, #tpu.memory_space<vmem>> -> memref<1x1x100x64xf32, #tpu.memory_space<vmem>>
    %dma_wait3A_40 = tpu.memref_squeeze %dma_wait3A_39 : memref<1x1x100x64xf32, #tpu.memory_space<vmem>> -> memref<100x64xf32, #tpu.memory_space<vmem>>
    tpu.wait_dma2 semaphore(%arg17 : memref<!tpu.dma_semaphore, #tpu.memory_space<semaphore_mem>>) src(%dma_wait3A_40 : memref<100x64xf32, #tpu.memory_space<vmem>>) dst(%dma_wait3A_36 : memref<100x64xf32, #tpu.memory_space<hbm>>)
    %dma_wait3A_41 = arith.constant 1 : i32
    %dma_wait3A_42 = arith.constant 0 : i32
    %dma_wait3A_43 = arith.constant 0 : i32
    %dma_wait3A_44 = arith.constant 0 : i32
    %dma_wait3A_45 = tpu.memref_slice %arg8[%dma_wait3A_41, %dma_wait3A_42, %dma_wait3A_43, %dma_wait3A_44] : memref<4x2x100x64xf32, #tpu.memory_space<vmem>> -> memref<1x1x100x64xf32, #tpu.memory_space<vmem>>
    %dma_wait3A_46 = tpu.memref_squeeze %dma_wait3A_45 : memref<1x1x100x64xf32, #tpu.memory_space<vmem>> -> memref<100x64xf32, #tpu.memory_space<vmem>>
    %dma_wait3A_47 = arith.constant 0 : i32
    %dma_wait3A_48 = arith.constant 0 : i32
    %dma_wait3A_49 = tpu.memref_slice %arg5[%dma_wait3A_47, %dma_wait3A_48] : memref<409600x128xf32, #tpu.memory_space<hbm>> -> memref<100x64xf32, #tpu.memory_space<hbm>>
    %dma_wait3A_50 = arith.constant 0 : i32
    %dma_wait3A_51 = arith.constant 0 : i32
    %dma_wait3A_52 = tpu.memref_slice %arg5[%dma_wait3A_50, %dma_wait3A_51] : memref<409600x128xf32, #tpu.memory_space<hbm>> -> memref<100x64xf32, #tpu.memory_space<hbm>>
    %dma_wait3A_53 = arith.constant 0 : i32
    %dma_wait3A_54 = arith.constant 0 : i32
    %dma_wait3A_55 = tpu.memref_slice %arg8[%dma_wait3A_41, %dma_wait3A_42, %dma_wait3A_53, %dma_wait3A_54] : memref<4x2x100x64xf32, #tpu.memory_space<vmem>> -> memref<1x1x100x64xf32, #tpu.memory_space<vmem>>
    %dma_wait3A_56 = tpu.memref_squeeze %dma_wait3A_55 : memref<1x1x100x64xf32, #tpu.memory_space<vmem>> -> memref<100x64xf32, #tpu.memory_space<vmem>>
    tpu.wait_dma2 semaphore(%arg18 : memref<!tpu.dma_semaphore, #tpu.memory_space<semaphore_mem>>) src(%dma_wait3A_56 : memref<100x64xf32, #tpu.memory_space<vmem>>) dst(%dma_wait3A_52 : memref<100x64xf32, #tpu.memory_space<hbm>>)
    %dma_wait3A_57 = arith.constant 1 : i32
    %dma_wait3A_58 = arith.constant 1 : i32
    %dma_wait3A_59 = arith.constant 0 : i32
    %dma_wait3A_60 = arith.constant 0 : i32
    %dma_wait3A_61 = tpu.memref_slice %arg8[%dma_wait3A_57, %dma_wait3A_58, %dma_wait3A_59, %dma_wait3A_60] : memref<4x2x100x64xf32, #tpu.memory_space<vmem>> -> memref<1x1x100x64xf32, #tpu.memory_space<vmem>>
    %dma_wait3A_62 = tpu.memref_squeeze %dma_wait3A_61 : memref<1x1x100x64xf32, #tpu.memory_space<vmem>> -> memref<100x64xf32, #tpu.memory_space<vmem>>
    %dma_wait3A_63 = arith.constant 0 : i32
    %dma_wait3A_64 = arith.constant 64 : i32
    %dma_wait3A_65 = tpu.memref_slice %arg5[%dma_wait3A_63, %dma_wait3A_64] : memref<409600x128xf32, #tpu.memory_space<hbm>> -> memref<100x64xf32, #tpu.memory_space<hbm>>
    %dma_wait3A_66 = arith.constant 0 : i32
    %dma_wait3A_67 = arith.constant 64 : i32
    %dma_wait3A_68 = tpu.memref_slice %arg5[%dma_wait3A_66, %dma_wait3A_67] : memref<409600x128xf32, #tpu.memory_space<hbm>> -> memref<100x64xf32, #tpu.memory_space<hbm>>
    %dma_wait3A_69 = arith.constant 0 : i32
    %dma_wait3A_70 = arith.constant 0 : i32
    %dma_wait3A_71 = tpu.memref_slice %arg8[%dma_wait3A_57, %dma_wait3A_58, %dma_wait3A_69, %dma_wait3A_70] : memref<4x2x100x64xf32, #tpu.memory_space<vmem>> -> memref<1x1x100x64xf32, #tpu.memory_space<vmem>>
    %dma_wait3A_72 = tpu.memref_squeeze %dma_wait3A_71 : memref<1x1x100x64xf32, #tpu.memory_space<vmem>> -> memref<100x64xf32, #tpu.memory_space<vmem>>
    tpu.wait_dma2 semaphore(%arg18 : memref<!tpu.dma_semaphore, #tpu.memory_space<semaphore_mem>>) src(%dma_wait3A_72 : memref<100x64xf32, #tpu.memory_space<vmem>>) dst(%dma_wait3A_68 : memref<100x64xf32, #tpu.memory_space<hbm>>)
    %dma_wait3A_73 = arith.constant 2 : i32
    %dma_wait3A_74 = arith.constant 0 : i32
    %dma_wait3A_75 = arith.constant 0 : i32
    %dma_wait3A_76 = arith.constant 0 : i32
    %dma_wait3A_77 = tpu.memref_slice %arg8[%dma_wait3A_73, %dma_wait3A_74, %dma_wait3A_75, %dma_wait3A_76] : memref<4x2x100x64xf32, #tpu.memory_space<vmem>> -> memref<1x1x100x64xf32, #tpu.memory_space<vmem>>
    %dma_wait3A_78 = tpu.memref_squeeze %dma_wait3A_77 : memref<1x1x100x64xf32, #tpu.memory_space<vmem>> -> memref<100x64xf32, #tpu.memory_space<vmem>>
    %dma_wait3A_79 = arith.constant 0 : i32
    %dma_wait3A_80 = arith.constant 0 : i32
    %dma_wait3A_81 = tpu.memref_slice %arg5[%dma_wait3A_79, %dma_wait3A_80] : memref<409600x128xf32, #tpu.memory_space<hbm>> -> memref<100x64xf32, #tpu.memory_space<hbm>>
    %dma_wait3A_82 = arith.constant 0 : i32
    %dma_wait3A_83 = arith.constant 0 : i32
    %dma_wait3A_84 = tpu.memref_slice %arg5[%dma_wait3A_82, %dma_wait3A_83] : memref<409600x128xf32, #tpu.memory_space<hbm>> -> memref<100x64xf32, #tpu.memory_space<hbm>>
    %dma_wait3A_85 = arith.constant 0 : i32
    %dma_wait3A_86 = arith.constant 0 : i32
    %dma_wait3A_87 = tpu.memref_slice %arg8[%dma_wait3A_73, %dma_wait3A_74, %dma_wait3A_85, %dma_wait3A_86] : memref<4x2x100x64xf32, #tpu.memory_space<vmem>> -> memref<1x1x100x64xf32, #tpu.memory_space<vmem>>
    %dma_wait3A_88 = tpu.memref_squeeze %dma_wait3A_87 : memref<1x1x100x64xf32, #tpu.memory_space<vmem>> -> memref<100x64xf32, #tpu.memory_space<vmem>>
    tpu.wait_dma2 semaphore(%arg19 : memref<!tpu.dma_semaphore, #tpu.memory_space<semaphore_mem>>) src(%dma_wait3A_88 : memref<100x64xf32, #tpu.memory_space<vmem>>) dst(%dma_wait3A_84 : memref<100x64xf32, #tpu.memory_space<hbm>>)
    %dma_wait3A_89 = arith.constant 2 : i32
    %dma_wait3A_90 = arith.constant 1 : i32
    %dma_wait3A_91 = arith.constant 0 : i32
    %dma_wait3A_92 = arith.constant 0 : i32
    %dma_wait3A_93 = tpu.memref_slice %arg8[%dma_wait3A_89, %dma_wait3A_90, %dma_wait3A_91, %dma_wait3A_92] : memref<4x2x100x64xf32, #tpu.memory_space<vmem>> -> memref<1x1x100x64xf32, #tpu.memory_space<vmem>>
    %dma_wait3A_94 = tpu.memref_squeeze %dma_wait3A_93 : memref<1x1x100x64xf32, #tpu.memory_space<vmem>> -> memref<100x64xf32, #tpu.memory_space<vmem>>
    %dma_wait3A_95 = arith.constant 0 : i32
    %dma_wait3A_96 = arith.constant 64 : i32
    %dma_wait3A_97 = tpu.memref_slice %arg5[%dma_wait3A_95, %dma_wait3A_96] : memref<409600x128xf32, #tpu.memory_space<hbm>> -> memref<100x64xf32, #tpu.memory_space<hbm>>
    %dma_wait3A_98 = arith.constant 0 : i32
    %dma_wait3A_99 = arith.constant 64 : i32
    %dma_wait3A_100 = tpu.memref_slice %arg5[%dma_wait3A_98, %dma_wait3A_99] : memref<409600x128xf32, #tpu.memory_space<hbm>> -> memref<100x64xf32, #tpu.memory_space<hbm>>
    %dma_wait3A_101 = arith.constant 0 : i32
    %dma_wait3A_102 = arith.constant 0 : i32
    %dma_wait3A_103 = tpu.memref_slice %arg8[%dma_wait3A_89, %dma_wait3A_90, %dma_wait3A_101, %dma_wait3A_102] : memref<4x2x100x64xf32, #tpu.memory_space<vmem>> -> memref<1x1x100x64xf32, #tpu.memory_space<vmem>>
    %dma_wait3A_104 = tpu.memref_squeeze %dma_wait3A_103 : memref<1x1x100x64xf32, #tpu.memory_space<vmem>> -> memref<100x64xf32, #tpu.memory_space<vmem>>
    tpu.wait_dma2 semaphore(%arg19 : memref<!tpu.dma_semaphore, #tpu.memory_space<semaphore_mem>>) src(%dma_wait3A_104 : memref<100x64xf32, #tpu.memory_space<vmem>>) dst(%dma_wait3A_100 : memref<100x64xf32, #tpu.memory_space<hbm>>)
    %dma_wait3A_105 = arith.constant 3 : i32
    %dma_wait3A_106 = arith.constant 0 : i32
    %dma_wait3A_107 = arith.constant 0 : i32
    %dma_wait3A_108 = arith.constant 0 : i32
    %dma_wait3A_109 = tpu.memref_slice %arg8[%dma_wait3A_105, %dma_wait3A_106, %dma_wait3A_107, %dma_wait3A_108] : memref<4x2x100x64xf32, #tpu.memory_space<vmem>> -> memref<1x1x100x64xf32, #tpu.memory_space<vmem>>
    %dma_wait3A_110 = tpu.memref_squeeze %dma_wait3A_109 : memref<1x1x100x64xf32, #tpu.memory_space<vmem>> -> memref<100x64xf32, #tpu.memory_space<vmem>>
    %dma_wait3A_111 = arith.constant 0 : i32
    %dma_wait3A_112 = arith.constant 0 : i32
    %dma_wait3A_113 = tpu.memref_slice %arg5[%dma_wait3A_111, %dma_wait3A_112] : memref<409600x128xf32, #tpu.memory_space<hbm>> -> memref<100x64xf32, #tpu.memory_space<hbm>>
    %dma_wait3A_114 = arith.constant 0 : i32
    %dma_wait3A_115 = arith.constant 0 : i32
    %dma_wait3A_116 = tpu.memref_slice %arg5[%dma_wait3A_114, %dma_wait3A_115] : memref<409600x128xf32, #tpu.memory_space<hbm>> -> memref<100x64xf32, #tpu.memory_space<hbm>>
    %dma_wait3A_117 = arith.constant 0 : i32
    %dma_wait3A_118 = arith.constant 0 : i32
    %dma_wait3A_119 = tpu.memref_slice %arg8[%dma_wait3A_105, %dma_wait3A_106, %dma_wait3A_117, %dma_wait3A_118] : memref<4x2x100x64xf32, #tpu.memory_space<vmem>> -> memref<1x1x100x64xf32, #tpu.memory_space<vmem>>
    %dma_wait3A_120 = tpu.memref_squeeze %dma_wait3A_119 : memref<1x1x100x64xf32, #tpu.memory_space<vmem>> -> memref<100x64xf32, #tpu.memory_space<vmem>>
    tpu.wait_dma2 semaphore(%arg20 : memref<!tpu.dma_semaphore, #tpu.memory_space<semaphore_mem>>) src(%dma_wait3A_120 : memref<100x64xf32, #tpu.memory_space<vmem>>) dst(%dma_wait3A_116 : memref<100x64xf32, #tpu.memory_space<hbm>>)
    %dma_wait3A_121 = arith.constant 3 : i32
    %dma_wait3A_122 = arith.constant 1 : i32
    %dma_wait3A_123 = arith.constant 0 : i32
    %dma_wait3A_124 = arith.constant 0 : i32
    %dma_wait3A_125 = tpu.memref_slice %arg8[%dma_wait3A_121, %dma_wait3A_122, %dma_wait3A_123, %dma_wait3A_124] : memref<4x2x100x64xf32, #tpu.memory_space<vmem>> -> memref<1x1x100x64xf32, #tpu.memory_space<vmem>>
    %dma_wait3A_126 = tpu.memref_squeeze %dma_wait3A_125 : memref<1x1x100x64xf32, #tpu.memory_space<vmem>> -> memref<100x64xf32, #tpu.memory_space<vmem>>
    %dma_wait3A_127 = arith.constant 0 : i32
    %dma_wait3A_128 = arith.constant 64 : i32
    %dma_wait3A_129 = tpu.memref_slice %arg5[%dma_wait3A_127, %dma_wait3A_128] : memref<409600x128xf32, #tpu.memory_space<hbm>> -> memref<100x64xf32, #tpu.memory_space<hbm>>
    %dma_wait3A_130 = arith.constant 0 : i32
    %dma_wait3A_131 = arith.constant 64 : i32
    %dma_wait3A_132 = tpu.memref_slice %arg5[%dma_wait3A_130, %dma_wait3A_131] : memref<409600x128xf32, #tpu.memory_space<hbm>> -> memref<100x64xf32, #tpu.memory_space<hbm>>
    %dma_wait3A_133 = arith.constant 0 : i32
    %dma_wait3A_134 = arith.constant 0 : i32
    %dma_wait3A_135 = tpu.memref_slice %arg8[%dma_wait3A_121, %dma_wait3A_122, %dma_wait3A_133, %dma_wait3A_134] : memref<4x2x100x64xf32, #tpu.memory_space<vmem>> -> memref<1x1x100x64xf32, #tpu.memory_space<vmem>>
    %dma_wait3A_136 = tpu.memref_squeeze %dma_wait3A_135 : memref<1x1x100x64xf32, #tpu.memory_space<vmem>> -> memref<100x64xf32, #tpu.memory_space<vmem>>
    tpu.wait_dma2 semaphore(%arg20 : memref<!tpu.dma_semaphore, #tpu.memory_space<semaphore_mem>>) src(%dma_wait3A_136 : memref<100x64xf32, #tpu.memory_space<vmem>>) dst(%dma_wait3A_132 : memref<100x64xf32, #tpu.memory_space<hbm>>)
    return
  }
}

</mosaic_0001>

<sc_bundles>
// kernel: kernel.3.cloned.1.call-start
scs
__scs_entry_jumppad:
0x0: {  	(pc) =	sbr.rel $0x88, $3  }
0x1: {  	(tag) =	ssettag $0x0;
	lr =	simm.s32 $0x1  }
0x2: {  	[smem:$0x3F9E] =	sst lr;
	_ =	strace $0xD0000000  }
0x3: {  	_ = 	snop  }
0x4: {  	_ = 	snop  }
0x5: {  	_ = 	snop  }
0x6: {  	_ = 	snop  }
0x7: {  	_ = 	snop  }
__scs_overlays_trampoline_lowered:
0x8: {  	[smem:$0x3FAD] =	sst s0  }
0x9: {  	[smem:$0x3FAE] =	sst s1  }
0xa: {  	[smem:$0x3FAF] =	sst s2  }
0xb: {  	[smem:$0x3FB0] =	sst s3  }
0xc: {  	[smem:$0x3FB1] =	sst s4  }
0xd: {  	[smem:$0x3FB2] =	sst s5  }
0xe: {  	[smem:$0x3FB3] =	sst s6  }
0xf: {  	[smem:$0x3FB4] =	sst s7  }
0x10: {  	[smem:$0x3FB5] =	sst s8  }
0x11: {  	[smem:$0x3FB6] =	sst s9;
	s0 =	simm.s32 @!p0 $0x0  }
0x12: {  	s1 =	sld [smem:$0x3F9C];
	s0 =	simm.s32 @p0 $0x1  }
0x13: {  	[smem:$0x3FB7] =	sst s0;
	s0 =	simm.s32 @!p1 $0x0  }
0x14: {  	s2 =	sld [smem:$0x3F9B];
	s0 =	simm.s32 @p1 $0x1  }
0x15: {  	[smem:$0x3FB8] =	sst s0;
	s0 =	simm.s32 @!p2 $0x0  }
0x16: {  	s3 =	sld [smem:$0x3FDB];
	s0 =	simm.s32 @p2 $0x1  }
0x17: {  	s4 =	simm.s32 $0x1BF5;
	[smem:$0x3FBA] =	sst s0  }
0x18: {  	s0 =	sld [smem:$0x3F9D];
	_ =	swait.ge [sflag:s4], $0x0  }
0x19: {  	s7 =	sld [smem:$0x3F9E]  }
0x1a: {  	s8 =	sadd.s32 $0xFFFFE003, lr  }
0x1b: {  	s9 =	sadd.s32 $0xFFFFFEF7, lr;
	s5 =	simm.s32 $0xFFFFFFFF;
	p2 =	slt.u32 s8, $0xFFFFF086  }
0x1c: {  	p1 =	slt.u32 s9, $0xF7A;
	s5 =	simm.s32 @!p2 $0x0  }
0x1d: {  	s5 =	simm.s32 @p1 $0x1;
	p0 =	seq.s32 s7, s2  }
0x1e: {  	s7 =	smul.u32 @!p0 $0xF7A, s2;
	p2 =	seq.s32 @!p0 s5, $0x0  }
0x1f: {  	s9 =	smul.u32 $0xF7A, s1;
	s8 =	simm.s32 @!p0 $0x1BF5;
	p2 =	por !p2, p0  }
0x20: {  	[sflag:s8] =	ssyncset.s32 @!p0 $0xFFFFF086;
	s6 =	sadd.s32 @!p0 s3, s7;
	s7 =	simm.s32 @!p0 $0x108  }
0x21: {  	s3 =	sadd.s32 s3, s9;
	s6 =	sadd.s32 @!p0 $0x88, s6;
	s7 =	simm.s32 @p2 $0x1082  }
0x22: {  	[simem:s7], [sflag:s8] =	dma.local @!p0 [hbm:s6], $0xF7A  }
0x23: {  	s9 =	sor.u32 $0xD0000000, s2;
	s6 =	simm.s32 $0x108;
	_ =	swait.ge @!p0 [sflag:s8], $0x0  }
0x24: {  	s3 =	sadd.s32 $0x88, s3;
	s6 =	simm.s32 @!p1 $0x1082;
	[sflag:s4] =	ssyncset.s32 $0xFFFFF086  }
0x25: {  	[simem:s6], [sflag:s4] =	dma.local [hbm:s3], $0xF7A  }
0x26: {  	[smem:$0x3F9E] =	sst s1;
	(tag) =	ssettag s2;
	_ =	strace s9  }
0x27: {  	s1 =	sld [smem:$0x3FAE]  }
0x28: {  	s2 =	sld [smem:$0x3FAF]  }
0x29: {  	s4 =	sld [smem:$0x3FB1]  }
0x2a: {  	p0 =	seq.s32 s5, $0x0;
	s5 =	sld [smem:$0x3FB2]  }
0x2b: {  	s6 =	sld [smem:$0x3FB3]  }
0x2c: {  	s7 =	sld [smem:$0x3FB4]  }
0x2d: {  	s3 =	simm.s32 $0x108;
	s8 =	sld [smem:$0x3FB5]  }
0x2e: {  	s3 =	simm.s32 @!p0 $0x1082;
	s9 =	sld [smem:$0x3FB6]  }
0x2f: {  	lr =	sadd.s32 s0, s3;
	s0 =	sld [smem:$0x3FAD]  }
0x30: {  	s3 =	sld [smem:$0x3FB0]  }
0x31: {  	[smem:$0x3FB9] =	sst s10  }
0x32: {  	s10 =	sld [smem:$0x3FB7];
	_ =	sdelay $0x3  }
0x33: {  	p0 =	seq.s32 s10, $0x1;
	s10 =	sld [smem:$0x3FB9];
	_ =	sdelay $0x3  }
0x34: {  	[smem:$0x3FB9] =	sst s10  }
0x35: {  	s10 =	sld [smem:$0x3FB8];
	_ =	sdelay $0x3  }
0x36: {  	p1 =	seq.s32 s10, $0x1;
	s10 =	sld [smem:$0x3FB9];
	_ =	sdelay $0x3  }
0x37: {  	[smem:$0x3FB9] =	sst s10  }
0x38: {  	s10 =	sld [smem:$0x3FBA]  }
0x39: {  	_ = 	snop;
	(pc) =	sbr.ind lr, $3  }
0x3a: {  	_ = 	snop  }
0x3b: {  	_ = 	snop  }
0x3c: {  	p2 =	seq.s32 s10, $0x1;
	s10 =	sld [smem:$0x3FB9]  }
0x3d: {  	_ =	shalt  }
0x3e: {  	_ =	shalt  }
0x3f: {  	_ =	shalt  }
0x40: {  	_ =	shalt  }
0x41: {  	_ =	shalt  }
0x42: {  	_ =	shalt  }
0x43: {  	_ =	shalt  }
0x44: {  	_ =	shalt  }
0x45: {  	_ =	shalt  }
0x46: {  	_ =	shalt  }
0x47: {  	_ =	shalt  }
0x48: {  	_ =	shalt  }
0x49: {  	_ =	shalt  }
0x4a: {  	_ =	shalt  }
0x4b: {  	_ =	shalt  }
0x4c: {  	_ =	shalt  }
0x4d: {  	_ =	shalt  }
0x4e: {  	_ =	shalt  }
0x4f: {  	_ =	shalt  }
0x50: {  	_ =	shalt  }
0x51: {  	_ =	shalt  }
0x52: {  	_ =	shalt  }
0x53: {  	_ =	shalt  }
0x54: {  	_ =	shalt  }
0x55: {  	_ =	shalt  }
0x56: {  	_ =	shalt  }
0x57: {  	_ =	shalt  }
0x58: {  	_ =	shalt  }
0x59: {  	_ =	shalt  }
0x5a: {  	_ =	shalt  }
0x5b: {  	_ =	shalt  }
0x5c: {  	_ =	shalt  }
0x5d: {  	_ =	shalt  }
0x5e: {  	_ =	shalt  }
0x5f: {  	_ =	shalt  }
0x60: {  	_ =	shalt  }
0x61: {  	_ =	shalt  }
0x62: {  	_ =	shalt  }
0x63: {  	_ =	shalt  }
0x64: {  	_ =	shalt  }
0x65: {  	_ =	shalt  }
0x66: {  	_ =	shalt  }
0x67: {  	_ =	shalt  }
0x68: {  	_ =	shalt  }
0x69: {  	_ =	shalt  }
0x6a: {  	_ =	shalt  }
0x6b: {  	_ =	shalt  }
0x6c: {  	_ =	shalt  }
0x6d: {  	_ =	shalt  }
0x6e: {  	_ =	shalt  }
0x6f: {  	_ =	shalt  }
0x70: {  	_ =	shalt  }
0x71: {  	_ =	shalt  }
0x72: {  	_ =	shalt  }
0x73: {  	_ =	shalt  }
0x74: {  	_ =	shalt  }
0x75: {  	_ =	shalt  }
0x76: {  	_ =	shalt  }
0x77: {  	_ =	shalt  }
0x78: {  	_ =	shalt  }
0x79: {  	_ =	shalt  }
0x7a: {  	_ =	shalt  }
0x7b: {  	_ =	shalt  }
0x7c: {  	_ =	shalt  }
0x7d: {  	_ =	shalt  }
0x7e: {  	_ =	shalt  }
0x7f: {  	_ =	shalt  }
0x80: {  	_ =	shalt  }
0x81: {  	_ =	shalt  }
0x82: {  	_ =	shalt  }
0x83: {  	_ =	shalt  }
0x84: {  	_ =	shalt  }
0x85: {  	_ =	shalt  }
0x86: {  	_ =	shalt  }
0x87: {  	_ =	shalt  }
.Lfunc_end0:
.L_simem_size_0:
called_computation.1_lowered:
.L_overlay_start_0:
0x88: {  	s2 =	sld [smem:$0x3FD9]  }
0x89: {  	s3 =	sld [smem:$0x3FFE];
	_ =	sdelay $0x1  }
0x8a: {  	s1 =	srdreg.scid  }
0x8b: {  	s0 =	sand.u32 $0x1, s1  }
0x8c: {  	s17 =	sshll.u32 s0, $0xA;
	s2 =	sadd.s32 s3, s2  }
0x8d: {  	s2 =	sadd.s32 s2, s17  }
0x8e: {  	[smem:$0x3FC5] =	sst s2  }
0x8f: {  	_ = 	snop  }
0x90: {  	s2 =	sld [smem:$0x3FD0];
	(tm) =	ssettm $0x1  }
0x91: {  	s18 =	sld [smem:$0x3FFB];
	_ =	sdelay $0x3  }
0x92: {  	_ =	strace s18  }
0x93: {  	s3 =	sld [smem:$0x3FFC];
	_ =	sdelay $0x3  }
0x94: {  	_ =	strace s3  }
0x95: {  	s3 =	sld [smem:$0x3FFD];
	_ =	sdelay $0x3  }
0x96: {  	_ =	strace s3  }
0x97: {  	_ =	strace $0x8FFFFFFF  }
0x98: {  	s19 =	sld [smem:$0x3FDB];
	_ =	sdelay $0x1  }
0x99: {  	s4 =	simm.s32 $_scs_section_size  }
0x9a: {  	s5 =	simm.s32 $_size__tile_overlayer_lowered;
	s6 =	simm.s32 $_tile_overlayer_lowered  }
0x9b: {  	s22 =	simm.s32 $0x1BFF;
	s21 =	sshll.u32 s6, $0x1;
	s3 =	sadd.s32 s4, s19  }
0x9c: {  	s7 =	simm.s32 $0x0;
	s20 =	sshll.u32 s5, $0x1;
	s5 =	sadd.s32 s21, s3  }
0x9d: {  	[timem:s7], [sflag:s22] =	dma.local [hbm:s5], s20  }
0x9e: {  	_ =	swait.ge [sflag:s22], s20  }
0x9f: {  	s4 =	ssub.s32 $0x0, s20;
	[sflag:s22] =	ssyncset.done $0x0  }
0xa0: {  	[sflag:s22] =	ssyncadd.s32 s4;
	_ =	sdelay $0x1  }
0xa1: {  	s23 =	simm.s32 $0x1B8B  }
0xa2: {  	_ =	swait.ge [sflag:s23], $0x1  }
0xa3: {  	[sflag:s23] =	ssyncset.done $0x0  }
0xa4: {  	s25 =	simm.s32 $0x1B8E;
	s24 =	sld [smem:$0x3FFE];
	[sflag:s23] =	ssyncadd.s32 $0xFFFFFFFF  }
0xa5: {  	s26 =	simm.s32 $execute0_lowered;
	[smem:$0x3FD2] =	sst s25  }
0xa6: {  	s5 =	sshll.u32 s26, $0x1;
	_ =	strace $0x80000046;
	[dreg:$0x1] =	wrdreg $0xFFFFFFFF  }
0xa7: {  	s28 =	simm.s32 $_size_execute0_lowered;
	s3 =	sadd.s32 s3, s5;
	[dreg:$0x0] =	wrdreg $0x0  }
0xa8: {  	s5 =	sshll.u32 s28, $0x1;
	[dreg:$0x2] =	wrdreg s3  }
0xa9: {  	[dreg:$0x3] =	wrdreg s5  }
0xaa: {  	[dreg:$0x4] =	wrdreg $0xC0  }
0xab: {  	_ =	task [dreg:s7], $0x5FFFF  }
0xac: {  	[dreg:$0x1] =	wrdreg $0xFFFFFFFF  }
0xad: {  	[dreg:$0x0] =	wrdreg $0x60  }
0xae: {  	[dreg:$0x2] =	wrdreg s24  }
0xaf: {  	[dreg:$0x3] =	wrdreg s2  }
0xb0: {  	[dreg:$0x4] =	wrdreg $0x68000  }
0xb1: {  	[dreg:$0x5] =	wrdreg $0x9  }
0xb2: {  	_ =	task.clear_ibuf [dreg:s7], $0x6FFFF;
	_ =	strace $0x90000046  }
0xb3: {  	s29 =	simm.s32 $0x9;
	_ =	strace $0x80000048  }
0xb4: {  	_ =	swait.ge [sflag:s29], $0x1  }
0xb5: {  	[sflag:s29] =	ssyncadd.s32 $0xFFFFFFFF  }
0xb6: {  	_ =	strace $0x90000048  }
0xb7: {  	_ =	sfence  }
0xb8: {  	s30 =	sld [smem:$0x0];
	_ =	sdelay $0x2  }
0xb9: {  	s31 =	sshll.u32 s1, $0xD;
	s1 =	sshrl.u32 s1, $0x2  }
0xba: {  	s3 =	sand.u32 $0x4000, s31;
	s1 =	sadd.s32 s1, s30  }
0xbb: {  	s0 =	sor.u32 s3, s0;
	s1 =	sshll.u32 s1, $0x11  }
0xbc: {  	s0 =	sor.u32 s1, s0  }
0xbd: {  	s0 =	sadd.s32 $0x8F2B, s0  }
0xbe: {  	[sflag:s0] =	ssyncadd.remote.s32 $0x1  }
0xbf: {  	_ =	sfence.sel $0xFFFF  }
0xc0: {  	[dreg:$0x0] =	wrdreg $0xFFFFFFFF;
	(pc) =	sbr.abs _section_cstart, $3  }
0xc1: {  	[dreg:$0x1] =	wrdreg $0xFFFFFFFF  }
0xc2: {  	_ =	task.clear_ibuf [dreg:s7], $0x2FFFF;
	_ =	strace $0x9FFFFFFF  }
0xc3: {  	(tm) =	ssettm $0x7FFFFFFF  }
tec
execute0_lowered:
.L_overlay_start_1:
0x0: {  	(tag) =	ssettag $0x1  }
0x1: {  	s0 =	rddreg [dreg:$0x0]  }
0x2: {  	s1 =	srdreg.scid;
	s2 =	stileid.u32  }
0x3: {  	s4 =	rddreg [dreg:$0x1];
	s6 =	simm.s32 $0x0;
	s9 =	simm.s32 $0x10120  }
0x4: {  	s10 =	simm.s32 $0x1;
	s11 =	simm.s32 $0x64;
	s12 =	simm.s32 $0x6B20  }
0x5: {  	s13 =	simm.s32 $0x8420;
	s14 =	simm.s32 $0x2;
	s15 =	simm.s32 $0x9D20  }
0x6: {  	s16 =	simm.s32 $0xB620;
	s17 =	simm.s32 $0x3;
	s18 =	simm.s32 $0xCF20  }
0x7: {  	s19 =	simm.s32 $0xE820;
	s20 =	simm.s32 $0x4;
	s21 =	simm.s32 $0x11A20  }
0x8: {  	s22 =	simm.s32 $0x5;
	s23 =	simm.s32 $0x40;
	s24 =	simm.s32 $0x80  }
0x9: {  	s28 =	simm.s32 $0x8;
	s30 =	simm.s32 $0xA;
	s5 =	sand.u32 $0x1, s1  }
0xa: {  	s3 =	sshll.u32 s2, $0x1;
	s1 =	rddreg [dreg:$0x2];
	s8 =	smul.u32 $0x64000, s2  }
0xb: {  	s3 =	sor.u32 s5, s3;
	s7 =	ssub.s32 $0x2, s5;
	s5 =	smul.u32 $0x32000, s5  }
0xc: {  	s31 =	simm.s32 $0xB;
	[smem:$0x7FF] =	sst s6;
	s3 =	smul.u32 $0xD00, s3  }
0xd: {  	p0 =	sne.s32 s2, $0x0;
	_ =	strace $0x80000047;
	s4 =	sadd.s32 s8, s4  }
0xe: {  	s26 =	sshrl.u32 s7, $0x1;
	s29 =	sadd.s32 s5, s4;
	s25 =	sadd.s32 s3, s0  }
0xf: {  	s3 =	sadd.s32 $0x1B200, s0;
	s0 =	sadd.s32 $0xA00, s0;
	[dreg:$0x4] =	wrdreg s29  }
0x10: {  	[dreg:$0x5] =	wrdreg s0;
	s0 =	ssub.s32 s7, s26;
	s6 =	sadd.s32 $0x1200, s25  }
0x11: {  	s2 =	simm.s32 $0x0;
	[dreg:$0x6] =	wrdreg s6;
	s0 =	smax.u32 s0, $0x1  }
0x12: {  	s25 =	simm.s32 $0x6;
	[dreg:$0x7] =	wrdreg s0;
	s0 =	sshrl.u32 @!p0 s1, $0x3  }
0x13: {  	s26 =	simm.s32 $0x7;
	[dreg:$0x8] =	wrdreg s0;
	s0 =	simm.s32 $0xC  }
.LBB2_1:
0x14: {  	s4 =	simm.s32 $0x0;
	s5 =	rddreg [dreg:$0x6];
	s29 =	simm.s32 $0xD  }
0x15: {  	[tilespmem:s4], [sflag:$0xD] =	stream.linear.gather [hbm4b:s5+s4], $0x6800, $0x38;
	[tilespmem:$0x13320] =	vst v63  }
0x16: {  	_ =	swait.ge [sflag:s29], $0x6800  }
0x17: {  	[sflag:s29] =	ssyncset.done $0x0;
	s5 =	rddreg [dreg:$0x5]  }
0x18: {  	s4 =	simm.s32 @!p0 $0x1C0D;
	s6 =	rddreg [dreg:$0x8];
	[sflag:s29] =	ssyncadd.s32 $0xFFFF9800  }
0x19: {  	[spmem:s6], [sflag:s4] =	dma.local @!p0 [hbm:s5], $0x640  }
0x1a: {  	s4 =	simm.s32 @!p0 $0xD  }
0x1b: {  	_ =	swait.ge @!p0 [sflag:s4], $0x640  }
0x1c: {  	[sflag:s4] =	ssyncset.done @!p0 $0x0  }
0x1d: {  	p1 =	por $0x0, $0x0;
	[sflag:s4] =	ssyncadd.s32 @!p0 $0xFFFFF9C0  }
0x1e: {  	s4 =	simm.s32 @p1 $0x9;
	[bflag:$0x0] =	sbarrier.arrive $0xFFFF  }
0x1f: {  	_ =	swait.ge @p1 [sflag:s4], $0x1900  }
0x20: {  	[sflag:s4] =	ssyncset.done @p1 $0x0  }
0x21: {  	[sflag:s4] =	ssyncadd.s32 @p1 $0xFFFFE700  }
0x22: {  	_ =	swait.ge @p1 [sflag:s4], $0x1900  }
0x23: {  	[sflag:s4] =	ssyncset.done @p1 $0x0  }
0x24: {  	s5 =	simm.s32 @p1 $0xA;
	[sflag:s4] =	ssyncadd.s32 @p1 $0xFFFFE700;
	s4 =	simm.s32 @p1 $0x6B20  }
0x25: {  	[tilespmem:s4], [sflag:$0x1] =	stream.linear.gather @p1 [spmem:s1], $0x3200, $0x38;
	[tilespmem:$0x13320] =	vst v63  }
0x26: {  	_ =	swait.ge @p1 [sflag:s5], $0x1900  }
0x27: {  	[sflag:s5] =	ssyncset.done @p1 $0x0  }
0x28: {  	[sflag:s5] =	ssyncadd.s32 @p1 $0xFFFFE700  }
0x29: {  	_ =	swait.ge @p1 [sflag:s5], $0x1900  }
0x2a: {  	[sflag:s5] =	ssyncset.done @p1 $0x0  }
0x2b: {  	s4 =	simm.s32 @p1 $0x9D20;
	[sflag:s5] =	ssyncadd.s32 @p1 $0xFFFFE700;
	s5 =	simm.s32 @p1 $0xB  }
0x2c: {  	[tilespmem:s4], [sflag:$0x2] =	stream.linear.gather @p1 [spmem:s1], $0x3200, $0x38;
	[tilespmem:$0x13320] =	vst v63  }
0x2d: {  	_ =	swait.ge @p1 [sflag:s5], $0x1900  }
0x2e: {  	[sflag:s5] =	ssyncset.done @p1 $0x0  }
0x2f: {  	[sflag:s5] =	ssyncadd.s32 @p1 $0xFFFFE700  }
0x30: {  	_ =	swait.ge @p1 [sflag:s5], $0x1900  }
0x31: {  	[sflag:s5] =	ssyncset.done @p1 $0x0  }
0x32: {  	s4 =	simm.s32 @p1 $0xCF20;
	[sflag:s5] =	ssyncadd.s32 @p1 $0xFFFFE700;
	s5 =	simm.s32 @p1 $0xC  }
0x33: {  	[tilespmem:s4], [sflag:$0x3] =	stream.linear.gather @p1 [spmem:s1], $0x3200, $0x38;
	[tilespmem:$0x13320] =	vst v63  }
0x34: {  	_ =	swait.ge @p1 [sflag:s5], $0x1900  }
0x35: {  	[sflag:s5] =	ssyncset.done @p1 $0x0  }
0x36: {  	[sflag:s5] =	ssyncadd.s32 @p1 $0xFFFFE700  }
0x37: {  	_ =	swait.ge @p1 [sflag:s5], $0x1900  }
0x38: {  	[sflag:s5] =	ssyncset.done @p1 $0x0  }
0x39: {  	s4 =	simm.s32 @!p1 $0x6B20;
	[sflag:s5] =	ssyncadd.s32 @p1 $0xFFFFE700  }
0x3a: {  	[tilespmem:s4], [sflag:$0x1] =	stream.linear.gather @!p1 [spmem:s1], $0x3200, $0x38;
	[tilespmem:$0x13320] =	vst v63  }
0x3b: {  	s4 =	simm.s32 @!p1 $0x9D20  }
0x3c: {  	[tilespmem:s4], [sflag:$0x2] =	stream.linear.gather @!p1 [spmem:s1], $0x3200, $0x38;
	[tilespmem:$0x13320] =	vst v63  }
0x3d: {  	s4 =	simm.s32 @!p1 $0xCF20  }
0x3e: {  	[tilespmem:s4], [sflag:$0x3] =	stream.linear.gather @!p1 [spmem:s1], $0x3200, $0x38;
	[tilespmem:$0x13320] =	vst v63  }
0x3f: {  	_ = 	snop  }
0x40: {  	[tilespmem:s9], [sflag:$0x4] =	stream.linear.gather [spmem:s1], $0x3200, $0x38;
	[tilespmem:$0x13320] =	vst v63  }
0x41: {  	_ =	swait.ge [sflag:s10], $0x3200  }
0x42: {  	[sflag:s10] =	ssyncset.done $0x0  }
0x43: {  	s5 =	simm.s32 $0x0;
	[sflag:s10] =	ssyncadd.s32 $0xFFFFCE00  }
0x44: {  	[tilespmem:s12], [sflag:$0x5] =	stream.indirect.gather.add.f32 [hbm:s3], $0x40, s5, s11, $0xb8;
	[tilespmem:$0x13320] =	vst v63  }
0x45: {  	s6 =	simm.s32 $0x68  }
0x46: {  	[tilespmem:s13], [sflag:$0x5] =	stream.indirect.gather.add.f32 [hbm:s3], $0x40, s6, s11, $0xb8;
	[tilespmem:$0x13320] =	vst v63  }
0x47: {  	_ =	swait.ge [sflag:s14], $0x3200  }
0x48: {  	[sflag:s14] =	ssyncset.done $0x0  }
0x49: {  	s7 =	simm.s32 $0xD0;
	[sflag:s14] =	ssyncadd.s32 $0xFFFFCE00  }
0x4a: {  	[tilespmem:s15], [sflag:$0x6] =	stream.indirect.gather.add.f32 [hbm:s3], $0x40, s7, s11, $0xb8;
	[tilespmem:$0x13320] =	vst v63  }
0x4b: {  	s8 =	simm.s32 $0x138  }
0x4c: {  	[tilespmem:s16], [sflag:$0x6] =	stream.indirect.gather.add.f32 [hbm:s3], $0x40, s8, s11, $0xb8;
	[tilespmem:$0x13320] =	vst v63  }
0x4d: {  	_ =	swait.ge [sflag:s17], $0x3200  }
0x4e: {  	[sflag:s17] =	ssyncset.done $0x0  }
0x4f: {  	s29 =	simm.s32 $0x1A0;
	[sflag:s17] =	ssyncadd.s32 $0xFFFFCE00  }
0x50: {  	[tilespmem:s18], [sflag:$0x7] =	stream.indirect.gather.add.f32 [hbm:s3], $0x40, s29, s11, $0xb8;
	[tilespmem:$0x13320] =	vst v63  }
0x51: {  	s5 =	simm.s32 $0x208  }
0x52: {  	[tilespmem:s19], [sflag:$0x7] =	stream.indirect.gather.add.f32 [hbm:s3], $0x40, s5, s11, $0xb8;
	[tilespmem:$0x13320] =	vst v63  }
0x53: {  	_ =	swait.ge [sflag:s20], $0x3200  }
0x54: {  	[sflag:s20] =	ssyncset.done $0x0  }
0x55: {  	s6 =	simm.s32 $0x270;
	[sflag:s20] =	ssyncadd.s32 $0xFFFFCE00  }
0x56: {  	[tilespmem:s9], [sflag:$0x8] =	stream.indirect.gather.add.f32 [hbm:s3], $0x40, s6, s11, $0xb8;
	[tilespmem:$0x13320] =	vst v63  }
0x57: {  	s4 =	simm.s32 $0x2D8  }
0x58: {  	[tilespmem:s21], [sflag:$0x8] =	stream.indirect.gather.add.f32 [hbm:s3], $0x40, s4, s11, $0xb8;
	[tilespmem:$0x13320] =	vst v63  }
0x59: {  	_ =	swait.ge [sflag:s22], $0x1900  }
0x5a: {  	[sflag:s22] =	ssyncset.done $0x0  }
0x5b: {  	[sflag:s22] =	ssyncadd.s32 $0xFFFFE700  }
0x5c: {  	_ =	swait.ge [sflag:s22], $0x1900  }
0x5d: {  	s7 =	rddreg [dreg:$0x4];
	[sflag:s22] =	ssyncset.done $0x0  }
0x5e: {  	[sflag:s22] =	ssyncadd.s32 $0xFFFFE700;
	s7 =	sadd.s32 $0x0, s7  }
0x5f: {  	[hbm4b:s7+s23] =	stream.strided.scatter [tilespmem:s12], [sflag:$0x9], $0x1900, s24, s23, $0x38;
	[tilespmem:$0x13320] =	vst v63  }
0x60: {  	s5 =	sadd.s32 $0x8, s7  }
0x61: {  	[hbm4b:s5+s23] =	stream.strided.scatter [tilespmem:s13], [sflag:$0x9], $0x1900, s24, s23, $0x38;
	[tilespmem:$0x13320] =	vst v63  }
0x62: {  	_ =	swait.ge [sflag:s25], $0x1900  }
0x63: {  	[sflag:s25] =	ssyncset.done $0x0  }
0x64: {  	[sflag:s25] =	ssyncadd.s32 $0xFFFFE700  }
0x65: {  	_ =	swait.ge [sflag:s25], $0x1900  }
0x66: {  	[sflag:s25] =	ssyncset.done $0x0  }
0x67: {  	s8 =	sadd.s32 $0x640, s7;
	[sflag:s25] =	ssyncadd.s32 $0xFFFFE700  }
0x68: {  	[hbm4b:s8+s23] =	stream.strided.scatter [tilespmem:s15], [sflag:$0xA], $0x1900, s24, s23, $0x38;
	[tilespmem:$0x13320] =	vst v63  }
0x69: {  	s29 =	sadd.s32 $0x648, s7  }
0x6a: {  	[hbm4b:s29+s23] =	stream.strided.scatter [tilespmem:s16], [sflag:$0xA], $0x1900, s24, s23, $0x38;
	[tilespmem:$0x13320] =	vst v63  }
0x6b: {  	_ =	swait.ge [sflag:s26], $0x1900  }
0x6c: {  	[sflag:s26] =	ssyncset.done $0x0  }
0x6d: {  	[sflag:s26] =	ssyncadd.s32 $0xFFFFE700  }
0x6e: {  	_ =	swait.ge [sflag:s26], $0x1900  }
0x6f: {  	[sflag:s26] =	ssyncset.done $0x0  }
0x70: {  	s6 =	sadd.s32 $0xC80, s7;
	[sflag:s26] =	ssyncadd.s32 $0xFFFFE700  }
0x71: {  	[hbm4b:s6+s23] =	stream.strided.scatter [tilespmem:s18], [sflag:$0xB], $0x1900, s24, s23, $0x38;
	[tilespmem:$0x13320] =	vst v63  }
0x72: {  	s8 =	sadd.s32 $0xC88, s7  }
0x73: {  	[hbm4b:s8+s23] =	stream.strided.scatter [tilespmem:s19], [sflag:$0xB], $0x1900, s24, s23, $0x38;
	[tilespmem:$0x13320] =	vst v63  }
0x74: {  	_ =	swait.ge [sflag:s28], $0x1900  }
0x75: {  	[sflag:s28] =	ssyncset.done $0x0  }
0x76: {  	[sflag:s28] =	ssyncadd.s32 $0xFFFFE700  }
0x77: {  	p2 =	por $0x1, $0x1;
	_ =	swait.ge [sflag:s28], $0x1900  }
0x78: {  	s5 =	simm.s32 $0x1900;
	s29 =	sadd.s32 $0x12C0, s7;
	[sflag:s28] =	ssyncset.done $0x0  }
0x79: {  	s7 =	sadd.s32 $0x12C8, s7;
	s6 =	simm.s32 $0x3200;
	[sflag:s28] =	ssyncadd.s32 $0xFFFFE700  }
0x7a: {  	[hbm4b:s29+s23] =	stream.strided.scatter [tilespmem:s9], [sflag:$0xC], $0x1900, s24, s23, $0x38;
	[tilespmem:$0x13320] =	vst v63  }
.LBB2_2:
0x7b: {  	s29 =	simm.s32 @p2 $0x9  }
0x7c: {  	[hbm4b:s7+s23] =	stream.strided.scatter [tilespmem:s21], [sflag:$0xC], $0x1900, s24, s23, $0x38;
	[tilespmem:$0x13320] =	vst v63  }
0x7d: {  	_ =	swait.ge @p2 [sflag:s29], $0x1900  }
0x7e: {  	[sflag:s29] =	ssyncset.done @p2 $0x0  }
0x7f: {  	[sflag:s29] =	ssyncadd.s32 @p2 $0xFFFFE700  }
0x80: {  	_ =	swait.ge @p2 [sflag:s29], $0x1900  }
0x81: {  	[sflag:s29] =	ssyncset.done @p2 $0x0  }
0x82: {  	s7 =	simm.s32 @p2 $0x6B20;
	[sflag:s29] =	ssyncadd.s32 @p2 $0xFFFFE700;
	s29 =	simm.s32 @p2 $0xA  }
0x83: {  	[tilespmem:s7], [sflag:$0x1] =	stream.linear.gather @p2 [spmem:s1], $0x3200, $0x38;
	[tilespmem:$0x13320] =	vst v63  }
0x84: {  	_ =	swait.ge @p2 [sflag:s29], $0x1900  }
0x85: {  	[sflag:s29] =	ssyncset.done @p2 $0x0  }
0x86: {  	[sflag:s29] =	ssyncadd.s32 @p2 $0xFFFFE700  }
0x87: {  	_ =	swait.ge @p2 [sflag:s29], $0x1900  }
0x88: {  	[sflag:s29] =	ssyncset.done @p2 $0x0  }
0x89: {  	s7 =	simm.s32 @p2 $0x9D20;
	[sflag:s29] =	ssyncadd.s32 @p2 $0xFFFFE700;
	s29 =	simm.s32 @p2 $0xB  }
0x8a: {  	[tilespmem:s7], [sflag:$0x2] =	stream.linear.gather @p2 [spmem:s1], $0x3200, $0x38;
	[tilespmem:$0x13320] =	vst v63  }
0x8b: {  	_ =	swait.ge @p2 [sflag:s29], $0x1900  }
0x8c: {  	[sflag:s29] =	ssyncset.done @p2 $0x0  }
0x8d: {  	[sflag:s29] =	ssyncadd.s32 @p2 $0xFFFFE700  }
0x8e: {  	_ =	swait.ge @p2 [sflag:s29], $0x1900  }
0x8f: {  	[sflag:s29] =	ssyncset.done @p2 $0x0  }
0x90: {  	s7 =	simm.s32 @p2 $0xCF20;
	[sflag:s29] =	ssyncadd.s32 @p2 $0xFFFFE700;
	s29 =	simm.s32 @p2 $0xC  }
0x91: {  	[tilespmem:s7], [sflag:$0x3] =	stream.linear.gather @p2 [spmem:s1], $0x3200, $0x38;
	[tilespmem:$0x13320] =	vst v63  }
0x92: {  	_ =	swait.ge @p2 [sflag:s29], $0x1900  }
0x93: {  	[sflag:s29] =	ssyncset.done @p2 $0x0  }
0x94: {  	[sflag:s29] =	ssyncadd.s32 @p2 $0xFFFFE700  }
0x95: {  	_ =	swait.ge @p2 [sflag:s29], $0x1900  }
0x96: {  	[sflag:s29] =	ssyncset.done @p2 $0x0  }
0x97: {  	s7 =	simm.s32 @!p2 $0x6B20;
	[sflag:s29] =	ssyncadd.s32 @p2 $0xFFFFE700  }
0x98: {  	[tilespmem:s7], [sflag:$0x1] =	stream.linear.gather @!p2 [spmem:s1], $0x3200, $0x38;
	[tilespmem:$0x13320] =	vst v63  }
0x99: {  	s7 =	simm.s32 @!p2 $0x9D20  }
0x9a: {  	[tilespmem:s7], [sflag:$0x2] =	stream.linear.gather @!p2 [spmem:s1], $0x3200, $0x38;
	[tilespmem:$0x13320] =	vst v63  }
0x9b: {  	s7 =	simm.s32 @!p2 $0xCF20  }
0x9c: {  	[tilespmem:s7], [sflag:$0x3] =	stream.linear.gather @!p2 [spmem:s1], $0x3200, $0x38;
	[tilespmem:$0x13320] =	vst v63  }
0x9d: {  	_ = 	snop  }
0x9e: {  	[tilespmem:s9], [sflag:$0x4] =	stream.linear.gather [spmem:s1], $0x3200, $0x38;
	[tilespmem:$0x13320] =	vst v63  }
0x9f: {  	_ =	swait.ge [sflag:s10], $0x3200  }
0xa0: {  	s4 =	sadd.s32 $0x340, s4;
	[sflag:s10] =	ssyncset.done $0x0  }
0xa1: {  	s29 =	sadd.s32 $0xFFFFFD28, s4;
	[sflag:s10] =	ssyncadd.s32 $0xFFFFCE00  }
0xa2: {  	[tilespmem:s12], [sflag:$0x5] =	stream.indirect.gather.add.f32 [hbm:s3], $0x40, s29, s11, $0xb8;
	[tilespmem:$0x13320] =	vst v63  }
0xa3: {  	s29 =	sadd.s32 $0xFFFFFD90, s4  }
0xa4: {  	[tilespmem:s13], [sflag:$0x5] =	stream.indirect.gather.add.f32 [hbm:s3], $0x40, s29, s11, $0xb8;
	[tilespmem:$0x13320] =	vst v63  }
0xa5: {  	_ =	swait.ge [sflag:s14], $0x3200  }
0xa6: {  	[sflag:s14] =	ssyncset.done $0x0  }
0xa7: {  	s29 =	sadd.s32 $0xFFFFFDF8, s4;
	[sflag:s14] =	ssyncadd.s32 $0xFFFFCE00  }
0xa8: {  	[tilespmem:s15], [sflag:$0x6] =	stream.indirect.gather.add.f32 [hbm:s3], $0x40, s29, s11, $0xb8;
	[tilespmem:$0x13320] =	vst v63  }
0xa9: {  	s29 =	sadd.s32 $0xFFFFFE60, s4  }
0xaa: {  	[tilespmem:s16], [sflag:$0x6] =	stream.indirect.gather.add.f32 [hbm:s3], $0x40, s29, s11, $0xb8;
	[tilespmem:$0x13320] =	vst v63  }
0xab: {  	_ =	swait.ge [sflag:s17], $0x3200  }
0xac: {  	[sflag:s17] =	ssyncset.done $0x0  }
0xad: {  	s29 =	sadd.s32 $0xFFFFFEC8, s4;
	[sflag:s17] =	ssyncadd.s32 $0xFFFFCE00  }
0xae: {  	[tilespmem:s18], [sflag:$0x7] =	stream.indirect.gather.add.f32 [hbm:s3], $0x40, s29, s11, $0xb8;
	[tilespmem:$0x13320] =	vst v63  }
0xaf: {  	s29 =	sadd.s32 $0xFFFFFF30, s4  }
0xb0: {  	[tilespmem:s19], [sflag:$0x7] =	stream.indirect.gather.add.f32 [hbm:s3], $0x40, s29, s11, $0xb8;
	[tilespmem:$0x13320] =	vst v63  }
0xb1: {  	_ =	swait.ge [sflag:s20], $0x3200  }
0xb2: {  	[sflag:s20] =	ssyncset.done $0x0  }
0xb3: {  	s29 =	sadd.s32 $0xFFFFFF98, s4;
	[sflag:s20] =	ssyncadd.s32 $0xFFFFCE00  }
0xb4: {  	[tilespmem:s9], [sflag:$0x8] =	stream.indirect.gather.add.f32 [hbm:s3], $0x40, s29, s11, $0xb8;
	[tilespmem:$0x13320] =	vst v63  }
0xb5: {  	_ = 	snop  }
0xb6: {  	[tilespmem:s21], [sflag:$0x8] =	stream.indirect.gather.add.f32 [hbm:s3], $0x40, s4, s11, $0xb8;
	[tilespmem:$0x13320] =	vst v63  }
0xb7: {  	_ =	swait.ge [sflag:s22], $0x1900  }
0xb8: {  	[sflag:s22] =	ssyncset.done $0x0  }
0xb9: {  	[sflag:s22] =	ssyncadd.s32 $0xFFFFE700  }
0xba: {  	_ =	swait.ge [sflag:s22], $0x1900  }
0xbb: {  	s29 =	rddreg [dreg:$0x4];
	[sflag:s22] =	ssyncset.done $0x0  }
0xbc: {  	[sflag:s22] =	ssyncadd.s32 $0xFFFFE700;
	s7 =	sadd.s32 s5, s29  }
0xbd: {  	[hbm4b:s7+s23] =	stream.strided.scatter [tilespmem:s12], [sflag:$0x9], $0x1900, s24, s23, $0x38;
	[tilespmem:$0x13320] =	vst v63  }
0xbe: {  	s29 =	sadd.s32 $0x8, s7  }
0xbf: {  	[hbm4b:s29+s23] =	stream.strided.scatter [tilespmem:s13], [sflag:$0x9], $0x1900, s24, s23, $0x38;
	[tilespmem:$0x13320] =	vst v63  }
0xc0: {  	_ =	swait.ge [sflag:s25], $0x1900  }
0xc1: {  	[sflag:s25] =	ssyncset.done $0x0  }
0xc2: {  	[sflag:s25] =	ssyncadd.s32 $0xFFFFE700  }
0xc3: {  	_ =	swait.ge [sflag:s25], $0x1900  }
0xc4: {  	[sflag:s25] =	ssyncset.done $0x0  }
0xc5: {  	s29 =	sadd.s32 $0x640, s7;
	[sflag:s25] =	ssyncadd.s32 $0xFFFFE700  }
0xc6: {  	[hbm4b:s29+s23] =	stream.strided.scatter [tilespmem:s15], [sflag:$0xA], $0x1900, s24, s23, $0x38;
	[tilespmem:$0x13320] =	vst v63  }
0xc7: {  	s29 =	sadd.s32 $0x648, s7  }
0xc8: {  	[hbm4b:s29+s23] =	stream.strided.scatter [tilespmem:s16], [sflag:$0xA], $0x1900, s24, s23, $0x38;
	[tilespmem:$0x13320] =	vst v63  }
0xc9: {  	_ =	swait.ge [sflag:s26], $0x1900  }
0xca: {  	[sflag:s26] =	ssyncset.done $0x0  }
0xcb: {  	[sflag:s26] =	ssyncadd.s32 $0xFFFFE700  }
0xcc: {  	_ =	swait.ge [sflag:s26], $0x1900  }
0xcd: {  	[sflag:s26] =	ssyncset.done $0x0  }
0xce: {  	s29 =	sadd.s32 $0xC80, s7;
	[sflag:s26] =	ssyncadd.s32 $0xFFFFE700  }
0xcf: {  	[hbm4b:s29+s23] =	stream.strided.scatter [tilespmem:s18], [sflag:$0xB], $0x1900, s24, s23, $0x38;
	[tilespmem:$0x13320] =	vst v63  }
0xd0: {  	s29 =	sadd.s32 $0xC88, s7  }
0xd1: {  	[hbm4b:s29+s23] =	stream.strided.scatter [tilespmem:s19], [sflag:$0xB], $0x1900, s24, s23, $0x38;
	[tilespmem:$0x13320] =	vst v63  }
0xd2: {  	s8 =	smov.u32 s6;
	s6 =	sadd.s32 $0x1900, s6;
	_ =	swait.ge [sflag:s28], $0x1900  }
0xd3: {  	p1 =	sne.s32 s6, $0x32000;
	[sflag:s28] =	ssyncset.done $0x0  }
.Ltmp0:
0xd4: {  	[sflag:s28] =	ssyncadd.s32 $0xFFFFE700;
	(pc) =	sbr.rel @p1 .LBB2_2-.Ltmp0, $4  }
0xd5: {  	s5 =	smov.u32 s8;
	_ =	swait.ge [sflag:s28], $0x1900  }
0xd6: {  	p2 =	sne.s32 s5, $0x0;
	[sflag:s28] =	ssyncset.done $0x0  }
0xd7: {  	s29 =	sadd.s32 $0x12C0, s7;
	s7 =	sadd.s32 $0x12C8, s7;
	[sflag:s28] =	ssyncadd.s32 $0xFFFFE700  }
0xd8: {  	[hbm4b:s29+s23] =	stream.strided.scatter [tilespmem:s9], [sflag:$0xC], $0x1900, s24, s23, $0x38;
	[tilespmem:$0x13320] =	vst v63  }
0xd9: {  	[hbm4b:s7+s23] =	stream.strided.scatter [tilespmem:s21], [sflag:$0xC], $0x1900, s24, s23, $0x38;
	[tilespmem:$0x13320] =	vst v63  }
0xda: {  	s6 =	simm.s32 @p2 $0x9  }
0xdb: {  	_ =	swait.ge @p2 [sflag:s6], $0x1900  }
0xdc: {  	[sflag:s6] =	ssyncset.done @p2 $0x0  }
0xdd: {  	[sflag:s6] =	ssyncadd.s32 @p2 $0xFFFFE700  }
0xde: {  	_ =	swait.ge @p2 [sflag:s6], $0x1900  }
0xdf: {  	[sflag:s6] =	ssyncset.done @p2 $0x0  }
0xe0: {  	[sflag:s6] =	ssyncadd.s32 @p2 $0xFFFFE700;
	s6 =	simm.s32 @p2 $0x6B20  }
0xe1: {  	[tilespmem:s6], [sflag:$0x1] =	stream.linear.gather @p2 [spmem:s1], $0x3200, $0x38;
	[tilespmem:$0x13320] =	vst v63  }
0xe2: {  	s6 =	simm.s32 @p2 $0xA  }
0xe3: {  	_ =	swait.ge @p2 [sflag:s6], $0x1900  }
0xe4: {  	[sflag:s6] =	ssyncset.done @p2 $0x0  }
0xe5: {  	[sflag:s6] =	ssyncadd.s32 @p2 $0xFFFFE700  }
0xe6: {  	_ =	swait.ge @p2 [sflag:s6], $0x1900  }
0xe7: {  	[sflag:s6] =	ssyncset.done @p2 $0x0  }
0xe8: {  	[sflag:s6] =	ssyncadd.s32 @p2 $0xFFFFE700;
	s6 =	simm.s32 @p2 $0x9D20  }
0xe9: {  	[tilespmem:s6], [sflag:$0x2] =	stream.linear.gather @p2 [spmem:s1], $0x3200, $0x38;
	[tilespmem:$0x13320] =	vst v63  }
0xea: {  	s6 =	simm.s32 @p2 $0xB  }
0xeb: {  	_ =	swait.ge @p2 [sflag:s6], $0x1900  }
0xec: {  	[sflag:s6] =	ssyncset.done @p2 $0x0  }
0xed: {  	[sflag:s6] =	ssyncadd.s32 @p2 $0xFFFFE700  }
0xee: {  	_ =	swait.ge @p2 [sflag:s6], $0x1900  }
0xef: {  	[sflag:s6] =	ssyncset.done @p2 $0x0  }
0xf0: {  	[sflag:s6] =	ssyncadd.s32 @p2 $0xFFFFE700;
	s6 =	simm.s32 @p2 $0xCF20  }
0xf1: {  	[tilespmem:s6], [sflag:$0x3] =	stream.linear.gather @p2 [spmem:s1], $0x3200, $0x38;
	[tilespmem:$0x13320] =	vst v63  }
0xf2: {  	s6 =	simm.s32 @p2 $0xC  }
0xf3: {  	_ =	swait.ge @p2 [sflag:s6], $0x1900  }
0xf4: {  	[sflag:s6] =	ssyncset.done @p2 $0x0  }
0xf5: {  	[sflag:s6] =	ssyncadd.s32 @p2 $0xFFFFE700  }
0xf6: {  	_ =	swait.ge @p2 [sflag:s6], $0x1900  }
0xf7: {  	[sflag:s6] =	ssyncset.done @p2 $0x0  }
0xf8: {  	[sflag:s6] =	ssyncadd.s32 @p2 $0xFFFFE700;
	s6 =	simm.s32 @!p2 $0x6B20  }
0xf9: {  	[tilespmem:s6], [sflag:$0x1] =	stream.linear.gather @!p2 [spmem:s1], $0x3200, $0x38;
	[tilespmem:$0x13320] =	vst v63  }
0xfa: {  	s6 =	simm.s32 @!p2 $0x9D20  }
0xfb: {  	[tilespmem:s6], [sflag:$0x2] =	stream.linear.gather @!p2 [spmem:s1], $0x3200, $0x38;
	[tilespmem:$0x13320] =	vst v63  }
0xfc: {  	s6 =	simm.s32 @!p2 $0xCF20  }
0xfd: {  	[tilespmem:s6], [sflag:$0x3] =	stream.linear.gather @!p2 [spmem:s1], $0x3200, $0x38;
	[tilespmem:$0x13320] =	vst v63  }
0xfe: {  	_ = 	snop  }
0xff: {  	[tilespmem:s9], [sflag:$0x4] =	stream.linear.gather [spmem:s1], $0x3200, $0x38;
	[tilespmem:$0x13320] =	vst v63  }
0x100: {  	_ =	swait.ge [sflag:s10], $0x3200  }
0x101: {  	s4 =	sadd.s32 $0x340, s4;
	[sflag:s10] =	ssyncset.done $0x0  }
0x102: {  	s29 =	sadd.s32 $0xFFFFFD28, s4;
	[sflag:s10] =	ssyncadd.s32 $0xFFFFCE00  }
0x103: {  	[tilespmem:s12], [sflag:$0x5] =	stream.indirect.gather.add.f32 [hbm:s3], $0x40, s29, s11, $0xb8;
	[tilespmem:$0x13320] =	vst v63  }
0x104: {  	s7 =	sadd.s32 $0xFFFFFD90, s4  }
0x105: {  	[tilespmem:s13], [sflag:$0x5] =	stream.indirect.gather.add.f32 [hbm:s3], $0x40, s7, s11, $0xb8;
	[tilespmem:$0x13320] =	vst v63  }
0x106: {  	_ =	swait.ge [sflag:s14], $0x3200  }
0x107: {  	[sflag:s14] =	ssyncset.done $0x0  }
0x108: {  	s8 =	sadd.s32 $0xFFFFFDF8, s4;
	[sflag:s14] =	ssyncadd.s32 $0xFFFFCE00  }
0x109: {  	[tilespmem:s15], [sflag:$0x6] =	stream.indirect.gather.add.f32 [hbm:s3], $0x40, s8, s11, $0xb8;
	[tilespmem:$0x13320] =	vst v63  }
0x10a: {  	s29 =	sadd.s32 $0xFFFFFE60, s4  }
0x10b: {  	[tilespmem:s16], [sflag:$0x6] =	stream.indirect.gather.add.f32 [hbm:s3], $0x40, s29, s11, $0xb8;
	[tilespmem:$0x13320] =	vst v63  }
0x10c: {  	_ =	swait.ge [sflag:s17], $0x3200  }
0x10d: {  	[sflag:s17] =	ssyncset.done $0x0  }
0x10e: {  	s7 =	sadd.s32 $0xFFFFFEC8, s4;
	[sflag:s17] =	ssyncadd.s32 $0xFFFFCE00  }
0x10f: {  	[tilespmem:s18], [sflag:$0x7] =	stream.indirect.gather.add.f32 [hbm:s3], $0x40, s7, s11, $0xb8;
	[tilespmem:$0x13320] =	vst v63  }
0x110: {  	s8 =	sadd.s32 $0xFFFFFF30, s4  }
0x111: {  	[tilespmem:s19], [sflag:$0x7] =	stream.indirect.gather.add.f32 [hbm:s3], $0x40, s8, s11, $0xb8;
	[tilespmem:$0x13320] =	vst v63  }
0x112: {  	_ =	swait.ge [sflag:s20], $0x3200  }
0x113: {  	[sflag:s20] =	ssyncset.done $0x0  }
0x114: {  	s29 =	sadd.s32 $0xFFFFFF98, s4;
	[sflag:s20] =	ssyncadd.s32 $0xFFFFCE00  }
0x115: {  	[tilespmem:s9], [sflag:$0x8] =	stream.indirect.gather.add.f32 [hbm:s3], $0x40, s29, s11, $0xb8;
	[tilespmem:$0x13320] =	vst v63  }
0x116: {  	_ = 	snop  }
0x117: {  	[tilespmem:s21], [sflag:$0x8] =	stream.indirect.gather.add.f32 [hbm:s3], $0x40, s4, s11, $0xb8;
	[tilespmem:$0x13320] =	vst v63  }
0x118: {  	_ =	swait.ge [sflag:s22], $0x1900  }
0x119: {  	[sflag:s22] =	ssyncset.done $0x0  }
0x11a: {  	[sflag:s22] =	ssyncadd.s32 $0xFFFFE700  }
0x11b: {  	_ =	swait.ge [sflag:s22], $0x1900  }
0x11c: {  	s6 =	rddreg [dreg:$0x4];
	[sflag:s22] =	ssyncset.done $0x0  }
0x11d: {  	[sflag:s22] =	ssyncadd.s32 $0xFFFFE700;
	s4 =	sadd.s32 s5, s6  }
0x11e: {  	[hbm4b:s4+s23] =	stream.strided.scatter [tilespmem:s12], [sflag:$0x9], $0x1900, s24, s23, $0x38;
	[tilespmem:$0x13320] =	vst v63  }
0x11f: {  	s5 =	sadd.s32 $0x8, s4  }
0x120: {  	[hbm4b:s5+s23] =	stream.strided.scatter [tilespmem:s13], [sflag:$0x9], $0x1900, s24, s23, $0x38;
	[tilespmem:$0x13320] =	vst v63  }
0x121: {  	_ =	swait.ge [sflag:s25], $0x1900  }
0x122: {  	[sflag:s25] =	ssyncset.done $0x0  }
0x123: {  	[sflag:s25] =	ssyncadd.s32 $0xFFFFE700  }
0x124: {  	_ =	swait.ge [sflag:s25], $0x1900  }
0x125: {  	[sflag:s25] =	ssyncset.done $0x0  }
0x126: {  	s7 =	sadd.s32 $0x640, s4;
	[sflag:s25] =	ssyncadd.s32 $0xFFFFE700  }
0x127: {  	[hbm4b:s7+s23] =	stream.strided.scatter [tilespmem:s15], [sflag:$0xA], $0x1900, s24, s23, $0x38;
	[tilespmem:$0x13320] =	vst v63  }
0x128: {  	s8 =	sadd.s32 $0x648, s4  }
0x129: {  	[hbm4b:s8+s23] =	stream.strided.scatter [tilespmem:s16], [sflag:$0xA], $0x1900, s24, s23, $0x38;
	[tilespmem:$0x13320] =	vst v63  }
0x12a: {  	_ =	swait.ge [sflag:s26], $0x1900  }
0x12b: {  	[sflag:s26] =	ssyncset.done $0x0  }
0x12c: {  	[sflag:s26] =	ssyncadd.s32 $0xFFFFE700  }
0x12d: {  	_ =	swait.ge [sflag:s26], $0x1900  }
0x12e: {  	[sflag:s26] =	ssyncset.done $0x0  }
0x12f: {  	s29 =	sadd.s32 $0xC80, s4;
	[sflag:s26] =	ssyncadd.s32 $0xFFFFE700  }
0x130: {  	[hbm4b:s29+s23] =	stream.strided.scatter [tilespmem:s18], [sflag:$0xB], $0x1900, s24, s23, $0x38;
	[tilespmem:$0x13320] =	vst v63  }
0x131: {  	s6 =	sadd.s32 $0xC88, s4  }
0x132: {  	[hbm4b:s6+s23] =	stream.strided.scatter [tilespmem:s19], [sflag:$0xB], $0x1900, s24, s23, $0x38;
	[tilespmem:$0x13320] =	vst v63  }
0x133: {  	_ =	swait.ge [sflag:s28], $0x1900  }
0x134: {  	[sflag:s28] =	ssyncset.done $0x0  }
0x135: {  	[sflag:s28] =	ssyncadd.s32 $0xFFFFE700  }
0x136: {  	_ =	swait.ge [sflag:s28], $0x1900  }
0x137: {  	[sflag:s28] =	ssyncset.done $0x0  }
0x138: {  	s7 =	sadd.s32 $0x12C0, s4;
	[sflag:s28] =	ssyncadd.s32 $0xFFFFE700  }
0x139: {  	[hbm4b:s7+s23] =	stream.strided.scatter [tilespmem:s9], [sflag:$0xC], $0x1900, s24, s23, $0x38;
	[tilespmem:$0x13320] =	vst v63  }
0x13a: {  	s4 =	sadd.s32 $0x12C8, s4;
	s8 =	simm.s32 $0x9  }
0x13b: {  	[hbm4b:s4+s23] =	stream.strided.scatter [tilespmem:s21], [sflag:$0xC], $0x1900, s24, s23, $0x38;
	[tilespmem:$0x13320] =	vst v63  }
0x13c: {  	_ =	swait.ge [sflag:s8], $0x1900  }
0x13d: {  	[sflag:s8] =	ssyncset.done $0x0  }
0x13e: {  	[sflag:s8] =	ssyncadd.s32 $0xFFFFE700  }
0x13f: {  	_ =	swait.ge [sflag:s8], $0x1900  }
0x140: {  	[sflag:s8] =	ssyncset.done $0x0  }
0x141: {  	[sflag:s8] =	ssyncadd.s32 $0xFFFFE700  }
0x142: {  	_ =	swait.ge [sflag:s30], $0x1900  }
0x143: {  	[sflag:s30] =	ssyncset.done $0x0  }
0x144: {  	[sflag:s30] =	ssyncadd.s32 $0xFFFFE700  }
0x145: {  	_ =	swait.ge [sflag:s30], $0x1900  }
0x146: {  	[sflag:s30] =	ssyncset.done $0x0  }
0x147: {  	[sflag:s30] =	ssyncadd.s32 $0xFFFFE700  }
0x148: {  	_ =	swait.ge [sflag:s31], $0x1900  }
0x149: {  	[sflag:s31] =	ssyncset.done $0x0  }
0x14a: {  	[sflag:s31] =	ssyncadd.s32 $0xFFFFE700  }
0x14b: {  	_ =	swait.ge [sflag:s31], $0x1900  }
0x14c: {  	[sflag:s31] =	ssyncset.done $0x0  }
0x14d: {  	[sflag:s31] =	ssyncadd.s32 $0xFFFFE700  }
0x14e: {  	_ =	swait.ge [sflag:s0], $0x1900  }
0x14f: {  	[sflag:s0] =	ssyncset.done $0x0  }
0x150: {  	[sflag:s0] =	ssyncadd.s32 $0xFFFFE700  }
0x151: {  	_ =	swait.ge [sflag:s0], $0x1900  }
0x152: {  	s2 =	sadd.s32 $0x1, s2;
	s29 =	rddreg [dreg:$0x7]  }
0x153: {  	p1 =	sne.s32 s2, s29  }
.Ltmp1:
0x154: {  	_ = 	snop;
	(pc) =	sbr.rel @p1 .LBB2_1-.Ltmp1, $3  }
0x155: {  	_ =	sdelay $0x1  }
0x156: {  	[sflag:s0] =	ssyncset.done $0x0  }
0x157: {  	[sflag:s0] =	ssyncadd.s32 $0xFFFFE700  }
0x158: {  	_ =	sfence.sel $0x180000  }
0x159: {  	[bflag:$0x0] =	sbarrier.arrive $0xFFFF  }
0x15a: {  	_ =	strace $0x90000047  }
0x15b: {  	[bflag:$0x2] =	sbarrier.arrive $0xFFFF  }
0x15c: {  	s0 =	rddreg [dreg:$0x3]  }
0x15d: {  	s0 =	sadd.s32 @!p0 $0x100000, s0  }
0x15e: {  	[sflag:s0] =	ssyncadd.tile.s32 @!p0 $0x1;
	_ =	shalt  }
.Lfunc_end2:
_tile_overlayer_lowered:
.L_overlay_start_2:
0x15f: {  	(tag) =	ssettag $0x2  }
0x160: {  	s0 =	rddreg [dreg:$0x0];
	s2 =	stileid.u32  }
0x161: {  	s1 =	rddreg [dreg:$0x1];
	p0 =	sne.s32 s2, $0x0  }
0x162: {  	s3 =	rddreg [dreg:$0x2];
	[bflag:$0x3] =	sbarrier.arrive $0xFFFF;
	s2 =	simm.s32 @!p0 $0x1C0D  }
0x163: {  	[timem:s3], [sflag:s2] =	dma.local @!p0 [hbm:s0], s1  }
0x164: {  	s0 =	simm.s32 @!p0 $0xD  }
0x165: {  	_ =	swait.ge @!p0 [sflag:s0], s1  }
0x166: {  	s1 =	ssub.s32 @!p0 $0x0, s1;
	[sflag:s0] =	ssyncset.done @!p0 $0x0  }
0x167: {  	[sflag:s0] =	ssyncadd.s32 @!p0 s1  }
0x168: {  	[bflag:$0x3] =	sbarrier.arrive $0xFFFF  }
0x169: {  	_ =	shalt  }

// kernel: sparse-core-data-format-call.cloned.1.call-start
scs
called_computation_lowered:
.L_overlay_start_0:
0x0: {  	s2 =	sld [smem:$0x3FD9]  }
0x1: {  	s3 =	sld [smem:$0x3FFE];
	_ =	sdelay $0x1  }
0x2: {  	s1 =	srdreg.scid  }
0x3: {  	s0 =	sand.u32 $0x1, s1  }
0x4: {  	s18 =	sshll.u32 s0, $0xA;
	s2 =	sadd.s32 s3, s2  }
0x5: {  	s2 =	sadd.s32 s2, s18  }
0x6: {  	[smem:$0x3FC5] =	sst s2  }
0x7: {  	_ = 	snop  }
0x8: {  	s2 =	sld [smem:$0x3FD0];
	(tm) =	ssettm $0x1  }
0x9: {  	s19 =	sld [smem:$0x3FFB];
	_ =	sdelay $0x3  }
0xa: {  	_ =	strace s19  }
0xb: {  	s3 =	sld [smem:$0x3FFC];
	_ =	sdelay $0x3  }
0xc: {  	_ =	strace s3  }
0xd: {  	s3 =	sld [smem:$0x3FFD];
	_ =	sdelay $0x3  }
0xe: {  	_ =	strace s3  }
0xf: {  	_ =	strace $0x8FFFFFFF  }
0x10: {  	s20 =	sld [smem:$0x3FDB];
	_ =	sdelay $0x1  }
0x11: {  	s4 =	simm.s32 $_scs_section_size  }
0x12: {  	s5 =	simm.s32 $_size__tile_overlayer_lowered;
	s6 =	simm.s32 $_tile_overlayer_lowered  }
0x13: {  	s23 =	simm.s32 $0x1BFF;
	s22 =	sshll.u32 s6, $0x1;
	s3 =	sadd.s32 s4, s20  }
0x14: {  	s7 =	simm.s32 $0x0;
	s21 =	sshll.u32 s5, $0x1;
	s5 =	sadd.s32 s22, s3  }
0x15: {  	[timem:s7], [sflag:s23] =	dma.local [hbm:s5], s21  }
0x16: {  	_ =	swait.ge [sflag:s23], s21  }
0x17: {  	s4 =	ssub.s32 $0x0, s21;
	[sflag:s23] =	ssyncset.done $0x0  }
0x18: {  	[sflag:s23] =	ssyncadd.s32 s4;
	_ =	sdelay $0x1  }
0x19: {  	s24 =	simm.s32 $0x1B8B  }
0x1a: {  	_ =	swait.ge [sflag:s24], $0x1  }
0x1b: {  	[sflag:s24] =	ssyncset.done $0x0  }
0x1c: {  	s26 =	simm.s32 $0x1B8E;
	s25 =	sld [smem:$0x3FFE];
	[sflag:s24] =	ssyncadd.s32 $0xFFFFFFFF  }
0x1d: {  	s27 =	simm.s32 $execute0_lowered;
	[smem:$0x3FD2] =	sst s26  }
0x1e: {  	s5 =	sshll.u32 s27, $0x1;
	_ =	strace $0x80000049;
	[dreg:$0x1] =	wrdreg $0xFFFFFFFF  }
0x1f: {  	s28 =	simm.s32 $_size_execute0_lowered;
	s3 =	sadd.s32 s3, s5;
	[dreg:$0x0] =	wrdreg $0x0  }
0x20: {  	s5 =	sshll.u32 s28, $0x1;
	[dreg:$0x2] =	wrdreg s3  }
0x21: {  	[dreg:$0x3] =	wrdreg s5  }
0x22: {  	[dreg:$0x4] =	wrdreg $0xC0  }
0x23: {  	_ =	task [dreg:s7], $0x5FFFF  }
0x24: {  	[dreg:$0x1] =	wrdreg $0xFFFFFFFF  }
0x25: {  	[dreg:$0x0] =	wrdreg $0x60  }
0x26: {  	[dreg:$0x2] =	wrdreg s25  }
0x27: {  	[dreg:$0x3] =	wrdreg s2  }
0x28: {  	[dreg:$0x4] =	wrdreg $0x9  }
0x29: {  	_ =	task.clear_ibuf [dreg:s7], $0x5FFFF;
	_ =	strace $0x90000049  }
0x2a: {  	s29 =	simm.s32 $0x9;
	_ =	strace $0x8000004B  }
0x2b: {  	_ =	swait.ge [sflag:s29], $0x1  }
0x2c: {  	[sflag:s29] =	ssyncadd.s32 $0xFFFFFFFF  }
0x2d: {  	_ =	strace $0x9000004B  }
0x2e: {  	_ =	sfence  }
0x2f: {  	s30 =	sld [smem:$0x0];
	_ =	sdelay $0x2  }
0x30: {  	s31 =	sshll.u32 s1, $0xD;
	s1 =	sshrl.u32 s1, $0x2  }
0x31: {  	s3 =	sand.u32 $0x4000, s31;
	s1 =	sadd.s32 s1, s30  }
0x32: {  	s0 =	sor.u32 s3, s0;
	s1 =	sshll.u32 s1, $0x11  }
0x33: {  	s0 =	sor.u32 s1, s0  }
0x34: {  	s0 =	sadd.s32 $0x8F2B, s0  }
0x35: {  	[sflag:s0] =	ssyncadd.remote.s32 $0x1  }
0x36: {  	_ =	sfence.sel $0xFFFF  }
0x37: {  	[dreg:$0x0] =	wrdreg $0xFFFFFFFF;
	(pc) =	sbr.abs _section_cstart, $3  }
0x38: {  	[dreg:$0x1] =	wrdreg $0xFFFFFFFF  }
0x39: {  	_ =	task.clear_ibuf [dreg:s7], $0x2FFFF;
	_ =	strace $0x9FFFFFFF  }
0x3a: {  	(tm) =	ssettm $0x7FFFFFFF  }
0x3b: {  	_ =	shalt  }
tec
execute0_lowered:
.L_overlay_start_1:
0x0: {  	(tag) =	ssettag $0x1  }
0x1: {  	s0 =	srdreg.scid  }
0x2: {  	s1 =	sshll.u32 s0, $0x4  }
0x3: {  	s0 =	stileid.u32;
	s1 =	sand.u32 $0x10, s1  }
0x4: {  	s1 =	sor.u32 s0, s1  }
0x5: {  	s6 =	rddreg [dreg:$0x0];
	s4 =	simm.s32 $0x1;
	s2 =	sshll.u32 s1, $0x7  }
0x6: {  	s7 =	simm.s32 $0x2;
	s12 =	simm.s32 $0x0;
	s1 =	ssub.s32 $0x1000, s2  }
0x7: {  	s8 =	simm.s32 $0x8000;
	s13 =	simm.s32 $0x0;
	s3 =	sand.u32 $0xF80, s1  }
0x8: {  	s9 =	simm.s32 $0x0;
	s5 =	sshrl.u32 s1, $0xC;
	p0 =	sne.s32 s3, $0x0  }
.Ltmp0:
0x9: {  	s1 =	rddreg [dreg:$0x2];
	s4 =	simm.s32 @!p0 $0x0;
	(pc) =	sbr.rel .LBB1_1-.Ltmp0, $4  }
0xa: {  	s11 =	simm.s32 $0x0;
	s3 =	rddreg [dreg:$0x1];
	s5 =	sadd.s32 s4, s5  }
0xb: {  	_ =	strace $0x8000004A;
	s4 =	simm.s32 $0x1;
	s5 =	smul.u32 $0xC8, s5  }
0xc: {  	s6 =	sadd.s32 $0xA00, s6;
	s10 =	smov.u32 s2;
	[sflag:s4] =	ssyncpa.u1 $0x0  }
0xd: {  	p0 =	por $0x0, $0x0;
	[sflag:s7] =	ssyncpa.u1 $0x0;
	s7 =	sor.u32 $0x1, s5  }
.LBB1_4:
0xe: {  	s16 =	sshll.u32 s13, $0x3;
	s17 =	sand.u32 $0x78, s13  }
0xf: {  	s30 =	sand.u32 $0x7E00, s13;
	s12 =	sshll.u32 s12, $0xF;
	s16 =	sand.u32 $0xC00, s16  }
0x10: {  	[tilespmem:s15+$0x810 ss:$0x81] =	vst.msk $0xffff, v2;
	s31 =	sand.u32 $0x7, s13;
	s16 =	sor.u32 s17, s16;
	s17 =	sadd.s32 s3, s30  }
0x11: {  	[tilespmem:s15+$0x1020 ss:$0x81] =	vst.msk $0xffff, v0;
	s13 =	sshll.u32 s31, $0x12;
	s12 =	sadd.s32 s12, s17;
	s16 =	sshrl.u32 s16, $0x3  }
0x12: {  	[tilespmem:s15+$0x0 ss:$0x81] =	vst.msk $0xffff, v1;
	s13 =	sor.u32 $0x400, s13;
	s12 =	sadd.s32 s16, s12  }
0x13: {  	[hbm4b:s12+s13] =	stream.strided.scatter [tilespmem:s14], [sflag:$0x2], $0x2000, s8, s13, $0x20;
	[tilespmem:$0x8080] =	vst v63  }
.LBB1_5:
0x14: {  	s14 =	sadd.s32 $0x1, s9  }
0x15: {  	s12 =	sadd.s32 $0x1000, s10;
	s16 =	smov.u32 s10;
	p2 =	sgt.s32 s14, $0xC7  }
0x16: {  	s16 =	smov.u32 @p2 s12  }
0x17: {  	s14 =	simm.s32 @p2 $0x0;
	p2 =	sgt.s32 s16, $0xFFF  }
0x18: {  	s16 =	smov.u32 @p2 s2;
	p2 =	sne.s32 s11, s7  }
.Ltmp1:
0x19: {  	p1 =	slt.u32 s11, $0x2;
	(pc) =	sbr.rel @!p2 .LBB1_6-.Ltmp1, $4  }
0x1a: {  	s15 =	simm.s32 @!p1 $0x2  }
0x1b: {  	s13 =	smov.u32 s10;
	p0 =	por !p0, !p0;
	_ =	swait.ge @!p1 [sflag:s15], $0x2000  }
0x1c: {  	s12 =	smov.u32 s9;
	[sflag:s15] =	ssyncset.done @!p1 $0x0;
	s9 =	smov.u32 s14  }
0x1d: {  	s11 =	sadd.s32 $0x1, s11;
	[sflag:s15] =	ssyncadd.s32 @!p1 $0xFFFFE000;
	s10 =	smov.u32 s16  }
.LBB1_1:
0x1e: {  	p1 =	sge.u32 s11, s5  }
0x1f: {  	s14 =	sand.u32 @!p1 $0x1FFFFFF, s9  }
0x20: {  	s15 =	smulhi.u32 @!p1 $0x147AE15, s14;
	_ =	sdelay $0x1  }
0x21: {  	s15 =	smul.u32 @!p1 $0xC8, s15  }
0x22: {  	s16 =	sxor.u32 @!p1 $0xFFFFFFFF, s11;
	s17 =	smul.u32 @!p1 $0xC80, s10  }
0x23: {  	s31 =	sadd.s32 $0xFFFFFFFF, s11;
	s16 =	sshll.u32 @!p1 s16, $0xD;
	s14 =	ssub.s32 @!p1 s14, s15  }
0x24: {  	s15 =	sand.u32 @!p1 $0x2000, s16;
	s16 =	sadd.s32 @!p1 s6, s17;
	s14 =	sshll.u32 @!p1 s14, $0x4  }
0x25: {  	s17 =	simm.s32 @!p1 $0x6400;
	s14 =	sadd.s32 @!p1 s14, s16;
	s16 =	simm.s32 @!p1 $0x40  }
0x26: {  	[tilespmem:s15], [sflag:$0x1] =	stream.strided.gather @!p1 [hbm4b:s14+s16], $0x2000, s17, s16, $0x38;
	[tilespmem:$0x8080] =	vst v63  }
0x27: {  	p1 =	sge.u32 s31, s5  }
.Ltmp2:
0x28: {  	_ = 	snop;
	(pc) =	sbr.rel @p1 .LBB1_5-.Ltmp2, $1  }
0x29: {  	_ =	sdelay $0x3  }
0x2a: {  	s14 =	simm.s32 $0x1  }
0x2b: {  	_ =	swait.ge [sflag:s4], $0x2000;
	s14 =	simm.s32 @!p0 $0x0  }
0x2c: {  	[sflag:s4] =	ssyncset.done $0x0;
	s15 =	sshll.u32 s14, $0xD  }
0x2d: {  	[sflag:s4] =	ssyncadd.s32 $0xFFFFE000;
	s18 =	sor.u32 $0x20, s15  }
0x2e: {  	s14 =	smul.u32 $0x8100, s14;
	v3 =	vld [tilespmem:s18+$0x10]  }
0x2f: {  	s30 =	sand.u32 $0x1, s11;
	v2 =	vld [tilespmem:s18+$0xFFFFFFF0]  }
0x30: {  	s15 =	smul.u32 $0x8100, s30;
	s14 =	sshrl.u32 s14, $0x2;
	v0 =	vld [tilespmem:s18+$0x0]  }
0x31: {  	v1 =	vld [tilespmem:s18+$0xFFFFFFE0];
	s16 =	sor.u32 $0x4000, s14  }
0x32: {  	s31 =	sshrl.u32 s15, $0x2;
	s15 =	sadd.s32 $0x0, s16  }
0x33: {  	s17 =	simm.s32 $0x4;
	s18 =	sadd.s32 $0x40, s18;
	s14 =	sor.u32 $0x4000, s31;
	[tilespmem:s15+$0x1830 ss:$0x81] =	vst.msk $0xffff, v3  }
.LBB1_3:
0x34: {  	v3 =	vld [tilespmem:s18+$0x10];
	p1 =	sne.s32 s17, $0x1FC;
	[tilespmem:s15+$0x810 ss:$0x81] =	vst.msk $0xffff, v2;
	s19 =	smov.u32 s17;
	s17 =	sadd.s32 $0x4, s17  }
.Ltmp3:
0x35: {  	v2 =	vld [tilespmem:s18+$0xFFFFFFF0];
	[tilespmem:s15+$0x1020 ss:$0x81] =	vst.msk $0xffff, v0;
	(pc) =	sbr.rel @p1 .LBB1_3-.Ltmp3, $4  }
0x36: {  	v0 =	vld [tilespmem:s18+$0x0];
	[tilespmem:s15+$0x0 ss:$0x81] =	vst.msk $0xffff, v1  }
0x37: {  	s15 =	sshra.s32 s19, $0x2;
	v1 =	vld [tilespmem:s18+$0xFFFFFFE0]  }
0x38: {  	s15 =	sadd.s32 s15, s16  }
0x39: {  	s18 =	sadd.s32 $0x40, s18;
	[tilespmem:s15+$0x1830 ss:$0x81] =	vst.msk $0xffff, v3  }
.Ltmp4:
0x3a: {  	_ = 	snop;
	(pc) =	sbr.rel .LBB1_4-.Ltmp4, $1  }
0x3b: {  	_ =	sdelay $0x3  }
.LBB1_6:
0x3c: {  	_ =	sfence.sel $0x180000  }
0x3d: {  	s2 =	simm.s32 $0x1;
	[bflag:$0x0] =	sbarrier.arrive $0xFFFF  }
0x3e: {  	s31 =	simm.s32 $0x2;
	[sflag:s2] =	ssyncpa.u1 $0x1  }
0x3f: {  	[sflag:s31] =	ssyncpa.u1 $0x1  }
0x40: {  	p0 =	sne.s32 s0, $0x0;
	_ =	strace $0x9000004A  }
0x41: {  	s0 =	sadd.s32 @!p0 $0x100000, s1;
	[bflag:$0x2] =	sbarrier.arrive $0xFFFF  }
0x42: {  	[sflag:s0] =	ssyncadd.tile.s32 @!p0 $0x1;
	_ =	shalt  }
.Lfunc_end1:
_tile_overlayer_lowered:
.L_overlay_start_2:
0x43: {  	(tag) =	ssettag $0x2  }
0x44: {  	s0 =	rddreg [dreg:$0x0];
	s2 =	stileid.u32  }
0x45: {  	s1 =	rddreg [dreg:$0x1];
	p0 =	sne.s32 s2, $0x0  }
0x46: {  	s3 =	rddreg [dreg:$0x2];
	[bflag:$0x3] =	sbarrier.arrive $0xFFFF;
	s2 =	simm.s32 @!p0 $0x1C01  }
0x47: {  	[timem:s3], [sflag:s2] =	dma.local @!p0 [hbm:s0], s1  }
0x48: {  	s0 =	simm.s32 @!p0 $0x1  }
0x49: {  	_ =	swait.ge @!p0 [sflag:s0], s1  }
0x4a: {  	s1 =	ssub.s32 @!p0 $0x0, s1;
	[sflag:s0] =	ssyncset.done @!p0 $0x0  }
0x4b: {  	[sflag:s0] =	ssyncadd.s32 @!p0 s1  }
0x4c: {  	[bflag:$0x3] =	sbarrier.arrive $0xFFFF  }
0x4d: {  	_ =	shalt  }

</sc_bundles>
